<compile_context>
chip_gen: v7x
topology: tpu7x:2x2x1
jax: 0.10.2.dev20260603
libtpu: 0.0.44.dev20260713+nightly
codegen_flags: <defaults>
</compile_context>

<pallas_src>
import jax
import jax.numpy as jnp
from jax import lax
from jax.experimental import pallas as pl
from jax.experimental.pallas import tpu as pltpu
from jax.experimental.pallas import tpu_sc as plsc

_N = 27554
_K = 9
_NC = 2
_NS = 16
_NW = _NC * _NS
_L = 16
_NTAB = 28672
_CHUNK = _NTAB // _NS
_NP = 2
_HP = _CHUNK // _NP
_QT = _NTAB // _NP
_GCH = _NTAB // _NW
_NV = _GCH // _L
_SCALE = 1.0 / (3.0 * _N)


def _lap_body(big_hbm, idx_hbm, out_hbm,
              buf8, buf8b, bufd, tab, bufg, idx_v,
              stage_v, part_v, spall, sp_part, sem_in, sem_tab, sem_pull,
              sem_ld):
    c = lax.axis_index("c")
    s = lax.axis_index("s")
    wid = c * _NS + s
    gbase = wid * _GCH

    cp_idx = pltpu.async_copy(idx_hbm.at[:, pl.ds(gbase, _GCH)], idx_v, sem_in)
    cp_g = pltpu.async_copy(big_hbm.at[:, pl.ds(gbase, _GCH)], bufg, sem_in)

    bufs = [buf8, buf8b]
    loads = [pltpu.async_copy(big_hbm.at[:, pl.ds(s * _HP, _HP)],
                              bufs[0], sem_ld)]
    pulls = []
    for p in range(_NP):
        loads[p].wait()
        if p + 1 < _NP:
            loads.append(pltpu.async_copy(
                big_hbm.at[:, pl.ds((p + 1) * _QT + s * _HP, _HP)],
                bufs[(p + 1) % 2], sem_ld))
        cur = bufs[p % 2]

        for cc in range(3):
            def _sub(i, cc=cc, cur=cur):
                off = i * _L
                bufd[pl.ds(cc * _HP + off, _L)] = (
                    cur[cc, pl.ds(off, _L)] - cur[3 + cc, pl.ds(off, _L)])
            plsc.parallel_loop(0, _HP // _L, 1, unroll=4)(_sub)

        pbase = p * _QT + s * _HP
        cps = [pltpu.async_copy(
                   bufd.at[pl.ds(cc * _HP, _HP)],
                   spall.at[pl.ds(cc * _NTAB + pbase, _HP)],
                   sem_tab)
               for cc in range(3)]
        for cp in cps:
            cp.wait()
        plsc.subcore_barrier()
        pulls += [pltpu.async_copy(
                      spall.at[pl.ds(cc * _NTAB + p * _QT, _QT)],
                      tab.at[pl.ds(cc * _NTAB + p * _QT, _QT)],
                      sem_pull)
                  for cc in range(3)]
    for cp in pulls:
        cp.wait()
    cp_idx.wait()
    cp_g.wait()

    def _gather(j, acc):
        off = j * _L
        iks = [idx_v[k, pl.ds(off, _L)] for k in range(_K)]
        comp = []
        for cc in range(3):
            base = cc * _NTAB
            g = [plsc.load_gather(tab, [ik + base if cc else ik])
                 for ik in iks]
            t01 = g[0] + g[1]
            t23 = g[2] + g[3]
            t45 = g[4] + g[5]
            t67 = g[6] + g[7]
            comp.append(((t01 + t23) + (t45 + t67)) + g[8])
        rw = 1.0 / jnp.maximum(bufg[6, pl.ds(off, _L)], 1e-30)
        ex = tab[pl.ds(gbase + off, _L)] - comp[0] * rw
        ey = tab[pl.ds(_NTAB + gbase + off, _L)] - comp[1] * rw
        ez = tab[pl.ds(2 * _NTAB + gbase + off, _L)] - comp[2] * rw
        return acc + (ex * ex + ey * ey + ez * ez) * bufg[7, pl.ds(off, _L)]

    acc = plsc.parallel_loop(0, _NV, 1, unroll=2,
                             carry=jnp.zeros((_L,), jnp.float32))(_gather)

    stage_v[...] = acc
    pltpu.sync_copy(stage_v, sp_part.at[pl.ds(s * _L, _L)])
    plsc.subcore_barrier()

    @pl.when(s == 0)
    def _():
        pltpu.sync_copy(sp_part, part_v)
        tot = part_v[pl.ds(0, _L)]
        for t in range(1, _NS):
            tot = tot + part_v[pl.ds(t * _L, _L)]
        total = jnp.sum(tot) * _SCALE
        stage_v[...] = jnp.broadcast_to(total, (_L,))
        pltpu.sync_copy(stage_v.at[pl.ds(0, 8)], out_hbm.at[pl.ds(c * 8, 8)])


_lap_call = pl.kernel(
    _lap_body,
    out_type=jax.ShapeDtypeStruct((_L,), jnp.float32),
    mesh=plsc.VectorSubcoreMesh(core_axis_name="c", subcore_axis_name="s",
                                num_cores=_NC),
    compiler_params=pltpu.CompilerParams(needs_layout_passes=False),
    scratch_types=[
        pltpu.VMEM((8, _HP), jnp.float32),
        pltpu.VMEM((8, _HP), jnp.float32),
        pltpu.VMEM((3 * _HP,), jnp.float32),
        pltpu.VMEM((3 * _NTAB,), jnp.float32),
        pltpu.VMEM((8, _GCH), jnp.float32),
        pltpu.VMEM((_K, _GCH), jnp.int32),
        pltpu.VMEM((_L,), jnp.float32),
        pltpu.VMEM((_NS * _L,), jnp.float32),
        pltpu.VMEM_SHARED((3 * _NTAB,), jnp.float32),
        pltpu.VMEM_SHARED((_NS * _L,), jnp.float32),
        pltpu.SemaphoreType.DMA,
        pltpu.SemaphoreType.DMA,
        pltpu.SemaphoreType.DMA,
        pltpu.SemaphoreType.DMA,
    ],
)


def kernel(v_1, v_2, adj_indices, adj_weights, laplace_w):
    pad = _NTAB - _N
    big = jnp.pad(
        jnp.concatenate([v_1.astype(jnp.float32).T,
                         v_2.astype(jnp.float32).T,
                         adj_weights.astype(jnp.float32).T,
                         laplace_w.astype(jnp.float32).T], axis=0),
        ((0, 0), (0, pad)))
    idxp = jnp.pad(adj_indices.astype(jnp.int32)[:, :_K].T, ((0, 0), (0, pad)))
    out = _lap_call(big, idxp)
    return out[0] + out[8]

# --- scband reference (transcript-rebuilt; emitter-appended) ---
"""Pipeline reference for scband-laplacian-loss-25434796327108 (READ-ONLY COPY).

The authoritative reference and input builder live on the scoring server;
editing this copy changes nothing except your own understanding.
"""

import jax, jax.numpy as jnp
import numpy as np

N = 27554  # upsampled SMPL vertex count
K = 9      # neighbors per vertex (adjacency_set[:, :9])


def setup_inputs(seed: int = 0) -> dict:
    key = jax.random.key(seed)
    k1, k2, k3, k4, k5 = jax.random.split(key, 5)
    v_1 = jax.random.normal(k1, (N, 3), dtype=jnp.float32)
    v_2 = jax.random.normal(k2, (N, 3), dtype=jnp.float32)
    # adjacency indices in [0, N]; index N points at the appended zero-pad vertex
    adj_indices = jax.random.randint(k3, (N, K), 0, N + 1, dtype=jnp.int64)
    # degree-like weights, strictly positive (module takes reciprocal)
    adj_weights = jax.random.uniform(k4, (N, 1), dtype=jnp.float32, minval=1.0, maxval=9.0)
    # per-vertex laplace regularization weights (regularize_laplace output), positive
    laplace_w = jax.random.uniform(k5, (N, 1), dtype=jnp.float32, minval=1.0, maxval=1600.0)
    return {"v_1": v_1, "v_2": v_2, "adj_indices": adj_indices,
            "adj_weights": adj_weights, "laplace_w": laplace_w}


def _laplace_coord(v, adj_indices, adj_weights):
    # vertex = cat([v, zeros(1,3)])  -> padding row at index N
    vertex = jnp.concatenate([v, jnp.zeros((1, 3), dtype=v.dtype)], axis=0)
    idx = adj_indices[:, :K].reshape(-1)
    w = jnp.reciprocal(adj_weights).reshape(-1, 1)  # [N,1], broadcast over 3 dims
    verts = jnp.take(vertex, idx, axis=0).reshape(v.shape[0], -1, 3)  # gather [N,K,3]
    laplace = jnp.sum(verts, axis=1)  # [N,3]
    return v - laplace * w


def reference(v_1, v_2, adj_indices, adj_weights, laplace_w):
    lap1 = _laplace_coord(v_1, adj_indices, adj_weights)
    lap2 = _laplace_coord(v_2, adj_indices, adj_weights)
    laplace_loss = jnp.square(lap1 - lap2)
    return jnp.mean(laplace_loss * laplace_w)

if __name__ == "__main__":
    import jax
    _d = setup_inputs()
    print(jax.jit(kernel)(*tuple(_d.values())))

</pallas_src>

<mosaic_0001>
#map = affine_map<(d0, d1) -> (0, 0)>
#map1 = affine_map<(d0, d1) -> (0)>
module attributes {stable_mosaic.version = 14 : i64} {
  func.func @_lap_body(%arg0: i32, %arg1: i32, %arg2: memref<8x28672xf32, #tpu.memory_space<hbm>>, %arg3: memref<9x28672xi32, #tpu.memory_space<hbm>>, %arg4: memref<16xf32, #tpu.memory_space<hbm>>, %arg5: memref<8x896xf32, #tpu.memory_space<vmem>>, %arg6: memref<8x896xf32, #tpu.memory_space<vmem>>, %arg7: memref<2688xf32, #tpu.memory_space<vmem>>, %arg8: memref<86016xf32, #tpu.memory_space<vmem>>, %arg9: memref<8x896xf32, #tpu.memory_space<vmem>>, %arg10: memref<9x896xi32, #tpu.memory_space<vmem>>, %arg11: memref<16xf32, #tpu.memory_space<vmem>>, %arg12: memref<256xf32, #tpu.memory_space<vmem>>, %arg13: memref<86016xf32, #tpu.memory_space<vmem_shared>>, %arg14: memref<256xf32, #tpu.memory_space<vmem_shared>>, %arg15: memref<!tpu.dma_semaphore, #tpu.memory_space<semaphore_mem>>, %arg16: memref<!tpu.dma_semaphore, #tpu.memory_space<semaphore_mem>>, %arg17: memref<!tpu.dma_semaphore, #tpu.memory_space<semaphore_mem>>, %arg18: memref<!tpu.dma_semaphore, #tpu.memory_space<semaphore_mem>>) attributes {dimension_semantics = [#tpu.dimension_semantics<core_parallel>, #tpu.dimension_semantics<subcore_parallel>], iteration_bounds = array<i64: 2, 16>, scalar_prefetch = 0 : i64, scratch_operands = 14 : i64, tpu.core_type = #tpu.core_type<sc_vector_subcore>, window_params = [{transform_indices = #map}, {transform_indices = #map}, {transform_indices = #map1}]} {
    %mul3A = arith.constant 16 : i32
    %mul3A_0 = arith.muli %arg0, %mul3A : i32
    %add3A = arith.addi %mul3A_0, %arg1 : i32
    %mul3A_1 = arith.constant 896 : i32
    %mul3A_2 = arith.muli %add3A, %mul3A_1 : i32
    %dma_start3A = arith.constant 0 : i32
    %dma_start3A_3 = tpu.memref_slice %arg3[%dma_start3A, %mul3A_2] : memref<9x28672xi32, #tpu.memory_space<hbm>> -> memref<9x896xi32, #tpu.memory_space<hbm>>
    %dma_start3A_4 = arith.constant 0 : i32
    %dma_start3A_5 = tpu.memref_slice %arg3[%dma_start3A_4, %mul3A_2] : memref<9x28672xi32, #tpu.memory_space<hbm>> -> memref<9x896xi32, #tpu.memory_space<hbm>>
    tpu.enqueue_dma source(%dma_start3A_5 : memref<9x896xi32, #tpu.memory_space<hbm>>) target(%arg10 : memref<9x896xi32, #tpu.memory_space<vmem>>) target_semaphore(%arg15 : memref<!tpu.dma_semaphore, #tpu.memory_space<semaphore_mem>>)
    %dma_start3A_6 = arith.constant 0 : i32
    %dma_start3A_7 = tpu.memref_slice %arg2[%dma_start3A_6, %mul3A_2] : memref<8x28672xf32, #tpu.memory_space<hbm>> -> memref<8x896xf32, #tpu.memory_space<hbm>>
    %dma_start3A_8 = arith.constant 0 : i32
    %dma_start3A_9 = tpu.memref_slice %arg2[%dma_start3A_8, %mul3A_2] : memref<8x28672xf32, #tpu.memory_space<hbm>> -> memref<8x896xf32, #tpu.memory_space<hbm>>
    tpu.enqueue_dma source(%dma_start3A_9 : memref<8x896xf32, #tpu.memory_space<hbm>>) target(%arg9 : memref<8x896xf32, #tpu.memory_space<vmem>>) target_semaphore(%arg15 : memref<!tpu.dma_semaphore, #tpu.memory_space<semaphore_mem>>)
    %mul3A_10 = arith.constant 896 : i32
    %mul3A_11 = arith.muli %arg1, %mul3A_10 : i32
    %dma_start3A_12 = arith.constant 0 : i32
    %dma_start3A_13 = tpu.memref_slice %arg2[%dma_start3A_12, %mul3A_11] : memref<8x28672xf32, #tpu.memory_space<hbm>> -> memref<8x896xf32, #tpu.memory_space<hbm>>
    %dma_start3A_14 = arith.constant 0 : i32
    %dma_start3A_15 = tpu.memref_slice %arg2[%dma_start3A_14, %mul3A_11] : memref<8x28672xf32, #tpu.memory_space<hbm>> -> memref<8x896xf32, #tpu.memory_space<hbm>>
    tpu.enqueue_dma source(%dma_start3A_15 : memref<8x896xf32, #tpu.memory_space<hbm>>) target(%arg5 : memref<8x896xf32, #tpu.memory_space<vmem>>) target_semaphore(%arg18 : memref<!tpu.dma_semaphore, #tpu.memory_space<semaphore_mem>>)
    %dma_wait3A = arith.constant 0 : i32
    %dma_wait3A_16 = tpu.memref_slice %arg2[%dma_wait3A, %mul3A_11] : memref<8x28672xf32, #tpu.memory_space<hbm>> -> memref<8x896xf32, #tpu.memory_space<hbm>>
    %dma_wait3A_17 = arith.constant 0 : i32
    %dma_wait3A_18 = tpu.memref_slice %arg2[%dma_wait3A_17, %mul3A_11] : memref<8x28672xf32, #tpu.memory_space<hbm>> -> memref<8x896xf32, #tpu.memory_space<hbm>>
    tpu.wait_dma2 semaphore(%arg18 : memref<!tpu.dma_semaphore, #tpu.memory_space<semaphore_mem>>) src(%dma_wait3A_18 : memref<8x896xf32, #tpu.memory_space<hbm>>) dst(%arg5 : memref<8x896xf32, #tpu.memory_space<vmem>>)
    %mul3A_19 = arith.constant 896 : i32
    %mul3A_20 = arith.muli %arg1, %mul3A_19 : i32
    %add3A_21 = arith.constant 14336 : i32
    %add3A_22 = arith.addi %add3A_21, %mul3A_20 : i32
    %dma_start3A_23 = arith.constant 0 : i32
    %dma_start3A_24 = tpu.memref_slice %arg2[%dma_start3A_23, %add3A_22] : memref<8x28672xf32, #tpu.memory_space<hbm>> -> memref<8x896xf32, #tpu.memory_space<hbm>>
    %dma_start3A_25 = arith.constant 0 : i32
    %dma_start3A_26 = tpu.memref_slice %arg2[%dma_start3A_25, %add3A_22] : memref<8x28672xf32, #tpu.memory_space<hbm>> -> memref<8x896xf32, #tpu.memory_space<hbm>>
    tpu.enqueue_dma source(%dma_start3A_26 : memref<8x896xf32, #tpu.memory_space<hbm>>) target(%arg6 : memref<8x896xf32, #tpu.memory_space<vmem>>) target_semaphore(%arg18 : memref<!tpu.dma_semaphore, #tpu.memory_space<semaphore_mem>>)
    %parallel_loop3A = arith.constant 0 : i32
    %parallel_loop3A_27 = arith.constant 56 : i32
    %parallel_loop3A_28 = arith.constant 1 : i32
    scf.for %parallel_loop3A_256 = %parallel_loop3A to %parallel_loop3A_27 step %parallel_loop3A_28  : i32 {
      %parallel_loop3A_257 = arith.constant 16 : i32
      %parallel_loop3A_258 = arith.muli %parallel_loop3A_256, %parallel_loop3A_257 : i32
      %parallel_loop3A_259 = arith.constant 0 : i32
      %parallel_loop3A_260 = arith.index_cast %parallel_loop3A_259 : i32 to index
      %parallel_loop3A_261 = arith.index_cast %parallel_loop3A_258 : i32 to index
      %parallel_loop3A_262 = tpu.vector_load %arg5[%parallel_loop3A_260, %parallel_loop3A_261] {strides = array<i32>} : memref<8x896xf32, #tpu.memory_space<vmem>>, vector<16xf32>,
      %parallel_loop3A_263 = arith.constant 3 : i32
      %parallel_loop3A_264 = arith.index_cast %parallel_loop3A_263 : i32 to index
      %parallel_loop3A_265 = arith.index_cast %parallel_loop3A_258 : i32 to index
      %parallel_loop3A_266 = tpu.vector_load %arg5[%parallel_loop3A_264, %parallel_loop3A_265] {strides = array<i32>} : memref<8x896xf32, #tpu.memory_space<vmem>>, vector<16xf32>,
      %parallel_loop3A_267 = arith.subf %parallel_loop3A_262, %parallel_loop3A_266 : vector<16xf32>
      %parallel_loop3A_268 = arith.constant 0 : i32
      %parallel_loop3A_269 = arith.addi %parallel_loop3A_268, %parallel_loop3A_258 : i32
      %parallel_loop3A_270 = arith.index_cast %parallel_loop3A_269 : i32 to index
      %parallel_loop3A_271 = tpu.vector_load %arg7[%parallel_loop3A_270] {strides = array<i32>} : memref<2688xf32, #tpu.memory_space<vmem>>, vector<16xf32>,
      tpu.vector_store %arg7[%parallel_loop3A_270], %parallel_loop3A_267 {strides = array<i32>} : memref<2688xf32, #tpu.memory_space<vmem>>, vector<16xf32>,
    } {sc.loop_unroll_factor = 4 : i64, sc.parallel_access}
    %parallel_loop3A_29 = arith.constant 0 : i32
    %parallel_loop3A_30 = arith.constant 56 : i32
    %parallel_loop3A_31 = arith.constant 1 : i32
    scf.for %parallel_loop3A_256 = %parallel_loop3A_29 to %parallel_loop3A_30 step %parallel_loop3A_31  : i32 {
      %parallel_loop3A_257 = arith.constant 16 : i32
      %parallel_loop3A_258 = arith.muli %parallel_loop3A_256, %parallel_loop3A_257 : i32
      %parallel_loop3A_259 = arith.constant 1 : i32
      %parallel_loop3A_260 = arith.index_cast %parallel_loop3A_259 : i32 to index
      %parallel_loop3A_261 = arith.index_cast %parallel_loop3A_258 : i32 to index
      %parallel_loop3A_262 = tpu.vector_load %arg5[%parallel_loop3A_260, %parallel_loop3A_261] {strides = array<i32>} : memref<8x896xf32, #tpu.memory_space<vmem>>, vector<16xf32>,
      %parallel_loop3A_263 = arith.constant 4 : i32
      %parallel_loop3A_264 = arith.index_cast %parallel_loop3A_263 : i32 to index
      %parallel_loop3A_265 = arith.index_cast %parallel_loop3A_258 : i32 to index
      %parallel_loop3A_266 = tpu.vector_load %arg5[%parallel_loop3A_264, %parallel_loop3A_265] {strides = array<i32>} : memref<8x896xf32, #tpu.memory_space<vmem>>, vector<16xf32>,
      %parallel_loop3A_267 = arith.subf %parallel_loop3A_262, %parallel_loop3A_266 : vector<16xf32>
      %parallel_loop3A_268 = arith.constant 896 : i32
      %parallel_loop3A_269 = arith.addi %parallel_loop3A_268, %parallel_loop3A_258 : i32
      %parallel_loop3A_270 = arith.index_cast %parallel_loop3A_269 : i32 to index
      %parallel_loop3A_271 = tpu.vector_load %arg7[%parallel_loop3A_270] {strides = array<i32>} : memref<2688xf32, #tpu.memory_space<vmem>>, vector<16xf32>,
      tpu.vector_store %arg7[%parallel_loop3A_270], %parallel_loop3A_267 {strides = array<i32>} : memref<2688xf32, #tpu.memory_space<vmem>>, vector<16xf32>,
    } {sc.loop_unroll_factor = 4 : i64, sc.parallel_access}
    %parallel_loop3A_32 = arith.constant 0 : i32
    %parallel_loop3A_33 = arith.constant 56 : i32
    %parallel_loop3A_34 = arith.constant 1 : i32
    scf.for %parallel_loop3A_256 = %parallel_loop3A_32 to %parallel_loop3A_33 step %parallel_loop3A_34  : i32 {
      %parallel_loop3A_257 = arith.constant 16 : i32
      %parallel_loop3A_258 = arith.muli %parallel_loop3A_256, %parallel_loop3A_257 : i32
      %parallel_loop3A_259 = arith.constant 2 : i32
      %parallel_loop3A_260 = arith.index_cast %parallel_loop3A_259 : i32 to index
      %parallel_loop3A_261 = arith.index_cast %parallel_loop3A_258 : i32 to index
      %parallel_loop3A_262 = tpu.vector_load %arg5[%parallel_loop3A_260, %parallel_loop3A_261] {strides = array<i32>} : memref<8x896xf32, #tpu.memory_space<vmem>>, vector<16xf32>,
      %parallel_loop3A_263 = arith.constant 5 : i32
      %parallel_loop3A_264 = arith.index_cast %parallel_loop3A_263 : i32 to index
      %parallel_loop3A_265 = arith.index_cast %parallel_loop3A_258 : i32 to index
      %parallel_loop3A_266 = tpu.vector_load %arg5[%parallel_loop3A_264, %parallel_loop3A_265] {strides = array<i32>} : memref<8x896xf32, #tpu.memory_space<vmem>>, vector<16xf32>,
      %parallel_loop3A_267 = arith.subf %parallel_loop3A_262, %parallel_loop3A_266 : vector<16xf32>
      %parallel_loop3A_268 = arith.constant 1792 : i32
      %parallel_loop3A_269 = arith.addi %parallel_loop3A_268, %parallel_loop3A_258 : i32
      %parallel_loop3A_270 = arith.index_cast %parallel_loop3A_269 : i32 to index
      %parallel_loop3A_271 = tpu.vector_load %arg7[%parallel_loop3A_270] {strides = array<i32>} : memref<2688xf32, #tpu.memory_space<vmem>>, vector<16xf32>,
      tpu.vector_store %arg7[%parallel_loop3A_270], %parallel_loop3A_267 {strides = array<i32>} : memref<2688xf32, #tpu.memory_space<vmem>>, vector<16xf32>,
    } {sc.loop_unroll_factor = 4 : i64, sc.parallel_access}
    %mul3A_35 = arith.constant 896 : i32
    %mul3A_36 = arith.muli %arg1, %mul3A_35 : i32
    %add3A_37 = arith.constant 0 : i32
    %add3A_38 = arith.addi %add3A_37, %mul3A_36 : i32
    %add3A_39 = arith.constant 0 : i32
    %add3A_40 = arith.addi %add3A_39, %add3A_38 : i32
    %dma_start3A_41 = arith.constant 0 : i32
    %dma_start3A_42 = tpu.memref_slice %arg7[%dma_start3A_41] : memref<2688xf32, #tpu.memory_space<vmem>> -> memref<896xf32, #tpu.memory_space<vmem>>
    %dma_start3A_43 = tpu.memref_slice %arg13[%add3A_40] : memref<86016xf32, #tpu.memory_space<vmem_shared>> -> memref<896xf32, #tpu.memory_space<vmem_shared>>
    %dma_start3A_44 = tpu.memref_slice %arg13[%add3A_40] : memref<86016xf32, #tpu.memory_space<vmem_shared>> -> memref<896xf32, #tpu.memory_space<vmem_shared>>
    %dma_start3A_45 = arith.constant 0 : i32
    %dma_start3A_46 = tpu.memref_slice %arg7[%dma_start3A_45] : memref<2688xf32, #tpu.memory_space<vmem>> -> memref<896xf32, #tpu.memory_space<vmem>>
    tpu.enqueue_dma source(%dma_start3A_46 : memref<896xf32, #tpu.memory_space<vmem>>) target(%dma_start3A_44 : memref<896xf32, #tpu.memory_space<vmem_shared>>) target_semaphore(%arg16 : memref<!tpu.dma_semaphore, #tpu.memory_space<semaphore_mem>>)
    %add3A_47 = arith.constant 28672 : i32
    %add3A_48 = arith.addi %add3A_47, %add3A_38 : i32
    %dma_start3A_49 = arith.constant 896 : i32
    %dma_start3A_50 = tpu.memref_slice %arg7[%dma_start3A_49] : memref<2688xf32, #tpu.memory_space<vmem>> -> memref<896xf32, #tpu.memory_space<vmem>>
    %dma_start3A_51 = tpu.memref_slice %arg13[%add3A_48] : memref<86016xf32, #tpu.memory_space<vmem_shared>> -> memref<896xf32, #tpu.memory_space<vmem_shared>>
    %dma_start3A_52 = tpu.memref_slice %arg13[%add3A_48] : memref<86016xf32, #tpu.memory_space<vmem_shared>> -> memref<896xf32, #tpu.memory_space<vmem_shared>>
    %dma_start3A_53 = arith.constant 896 : i32
    %dma_start3A_54 = tpu.memref_slice %arg7[%dma_start3A_53] : memref<2688xf32, #tpu.memory_space<vmem>> -> memref<896xf32, #tpu.memory_space<vmem>>
    tpu.enqueue_dma source(%dma_start3A_54 : memref<896xf32, #tpu.memory_space<vmem>>) target(%dma_start3A_52 : memref<896xf32, #tpu.memory_space<vmem_shared>>) target_semaphore(%arg16 : memref<!tpu.dma_semaphore, #tpu.memory_space<semaphore_mem>>)
    %add3A_55 = arith.constant 57344 : i32
    %add3A_56 = arith.addi %add3A_55, %add3A_38 : i32
    %dma_start3A_57 = arith.constant 1792 : i32
    %dma_start3A_58 = tpu.memref_slice %arg7[%dma_start3A_57] : memref<2688xf32, #tpu.memory_space<vmem>> -> memref<896xf32, #tpu.memory_space<vmem>>
    %dma_start3A_59 = tpu.memref_slice %arg13[%add3A_56] : memref<86016xf32, #tpu.memory_space<vmem_shared>> -> memref<896xf32, #tpu.memory_space<vmem_shared>>
    %dma_start3A_60 = tpu.memref_slice %arg13[%add3A_56] : memref<86016xf32, #tpu.memory_space<vmem_shared>> -> memref<896xf32, #tpu.memory_space<vmem_shared>>
    %dma_start3A_61 = arith.constant 1792 : i32
    %dma_start3A_62 = tpu.memref_slice %arg7[%dma_start3A_61] : memref<2688xf32, #tpu.memory_space<vmem>> -> memref<896xf32, #tpu.memory_space<vmem>>
    tpu.enqueue_dma source(%dma_start3A_62 : memref<896xf32, #tpu.memory_space<vmem>>) target(%dma_start3A_60 : memref<896xf32, #tpu.memory_space<vmem_shared>>) target_semaphore(%arg16 : memref<!tpu.dma_semaphore, #tpu.memory_space<semaphore_mem>>)
    %dma_wait3A_63 = arith.constant 0 : i32
    %dma_wait3A_64 = tpu.memref_slice %arg7[%dma_wait3A_63] : memref<2688xf32, #tpu.memory_space<vmem>> -> memref<896xf32, #tpu.memory_space<vmem>>
    %dma_wait3A_65 = tpu.memref_slice %arg13[%add3A_40] : memref<86016xf32, #tpu.memory_space<vmem_shared>> -> memref<896xf32, #tpu.memory_space<vmem_shared>>
    %dma_wait3A_66 = tpu.memref_slice %arg13[%add3A_40] : memref<86016xf32, #tpu.memory_space<vmem_shared>> -> memref<896xf32, #tpu.memory_space<vmem_shared>>
    %dma_wait3A_67 = arith.constant 0 : i32
    %dma_wait3A_68 = tpu.memref_slice %arg7[%dma_wait3A_67] : memref<2688xf32, #tpu.memory_space<vmem>> -> memref<896xf32, #tpu.memory_space<vmem>>
    tpu.wait_dma2 semaphore(%arg16 : memref<!tpu.dma_semaphore, #tpu.memory_space<semaphore_mem>>) src(%dma_wait3A_68 : memref<896xf32, #tpu.memory_space<vmem>>) dst(%dma_wait3A_66 : memref<896xf32, #tpu.memory_space<vmem_shared>>)
    %dma_wait3A_69 = arith.constant 896 : i32
    %dma_wait3A_70 = tpu.memref_slice %arg7[%dma_wait3A_69] : memref<2688xf32, #tpu.memory_space<vmem>> -> memref<896xf32, #tpu.memory_space<vmem>>
    %dma_wait3A_71 = tpu.memref_slice %arg13[%add3A_48] : memref<86016xf32, #tpu.memory_space<vmem_shared>> -> memref<896xf32, #tpu.memory_space<vmem_shared>>
    %dma_wait3A_72 = tpu.memref_slice %arg13[%add3A_48] : memref<86016xf32, #tpu.memory_space<vmem_shared>> -> memref<896xf32, #tpu.memory_space<vmem_shared>>
    %dma_wait3A_73 = arith.constant 896 : i32
    %dma_wait3A_74 = tpu.memref_slice %arg7[%dma_wait3A_73] : memref<2688xf32, #tpu.memory_space<vmem>> -> memref<896xf32, #tpu.memory_space<vmem>>
    tpu.wait_dma2 semaphore(%arg16 : memref<!tpu.dma_semaphore, #tpu.memory_space<semaphore_mem>>) src(%dma_wait3A_74 : memref<896xf32, #tpu.memory_space<vmem>>) dst(%dma_wait3A_72 : memref<896xf32, #tpu.memory_space<vmem_shared>>)
    %dma_wait3A_75 = arith.constant 1792 : i32
    %dma_wait3A_76 = tpu.memref_slice %arg7[%dma_wait3A_75] : memref<2688xf32, #tpu.memory_space<vmem>> -> memref<896xf32, #tpu.memory_space<vmem>>
    %dma_wait3A_77 = tpu.memref_slice %arg13[%add3A_56] : memref<86016xf32, #tpu.memory_space<vmem_shared>> -> memref<896xf32, #tpu.memory_space<vmem_shared>>
    %dma_wait3A_78 = tpu.memref_slice %arg13[%add3A_56] : memref<86016xf32, #tpu.memory_space<vmem_shared>> -> memref<896xf32, #tpu.memory_space<vmem_shared>>
    %dma_wait3A_79 = arith.constant 1792 : i32
    %dma_wait3A_80 = tpu.memref_slice %arg7[%dma_wait3A_79] : memref<2688xf32, #tpu.memory_space<vmem>> -> memref<896xf32, #tpu.memory_space<vmem>>
    tpu.wait_dma2 semaphore(%arg16 : memref<!tpu.dma_semaphore, #tpu.memory_space<semaphore_mem>>) src(%dma_wait3A_80 : memref<896xf32, #tpu.memory_space<vmem>>) dst(%dma_wait3A_78 : memref<896xf32, #tpu.memory_space<vmem_shared>>)
    %barrier3A = arith.constant 0 : index
    tpu.barrier barrier_id(%barrier3A)
    %dma_start3A_81 = arith.constant 0 : i32
    %dma_start3A_82 = tpu.memref_slice %arg8[%dma_start3A_81] : memref<86016xf32, #tpu.memory_space<vmem>> -> memref<14336xf32, #tpu.memory_space<vmem>>
    %dma_start3A_83 = arith.constant 0 : i32
    %dma_start3A_84 = tpu.memref_slice %arg13[%dma_start3A_83] : memref<86016xf32, #tpu.memory_space<vmem_shared>> -> memref<14336xf32, #tpu.memory_space<vmem_shared>>
    %dma_start3A_85 = arith.constant 0 : i32
    %dma_start3A_86 = tpu.memref_slice %arg8[%dma_start3A_85] : memref<86016xf32, #tpu.memory_space<vmem>> -> memref<14336xf32, #tpu.memory_space<vmem>>
    %dma_start3A_87 = arith.constant 0 : i32
    %dma_start3A_88 = tpu.memref_slice %arg13[%dma_start3A_87] : memref<86016xf32, #tpu.memory_space<vmem_shared>> -> memref<14336xf32, #tpu.memory_space<vmem_shared>>
    tpu.enqueue_dma source(%dma_start3A_88 : memref<14336xf32, #tpu.memory_space<vmem_shared>>) target(%dma_start3A_86 : memref<14336xf32, #tpu.memory_space<vmem>>) target_semaphore(%arg17 : memref<!tpu.dma_semaphore, #tpu.memory_space<semaphore_mem>>)
    %dma_start3A_89 = arith.constant 28672 : i32
    %dma_start3A_90 = tpu.memref_slice %arg8[%dma_start3A_89] : memref<86016xf32, #tpu.memory_space<vmem>> -> memref<14336xf32, #tpu.memory_space<vmem>>
    %dma_start3A_91 = arith.constant 28672 : i32
    %dma_start3A_92 = tpu.memref_slice %arg13[%dma_start3A_91] : memref<86016xf32, #tpu.memory_space<vmem_shared>> -> memref<14336xf32, #tpu.memory_space<vmem_shared>>
    %dma_start3A_93 = arith.constant 28672 : i32
    %dma_start3A_94 = tpu.memref_slice %arg8[%dma_start3A_93] : memref<86016xf32, #tpu.memory_space<vmem>> -> memref<14336xf32, #tpu.memory_space<vmem>>
    %dma_start3A_95 = arith.constant 28672 : i32
    %dma_start3A_96 = tpu.memref_slice %arg13[%dma_start3A_95] : memref<86016xf32, #tpu.memory_space<vmem_shared>> -> memref<14336xf32, #tpu.memory_space<vmem_shared>>
    tpu.enqueue_dma source(%dma_start3A_96 : memref<14336xf32, #tpu.memory_space<vmem_shared>>) target(%dma_start3A_94 : memref<14336xf32, #tpu.memory_space<vmem>>) target_semaphore(%arg17 : memref<!tpu.dma_semaphore, #tpu.memory_space<semaphore_mem>>)
    %dma_start3A_97 = arith.constant 57344 : i32
    %dma_start3A_98 = tpu.memref_slice %arg8[%dma_start3A_97] : memref<86016xf32, #tpu.memory_space<vmem>> -> memref<14336xf32, #tpu.memory_space<vmem>>
    %dma_start3A_99 = arith.constant 57344 : i32
    %dma_start3A_100 = tpu.memref_slice %arg13[%dma_start3A_99] : memref<86016xf32, #tpu.memory_space<vmem_shared>> -> memref<14336xf32, #tpu.memory_space<vmem_shared>>
    %dma_start3A_101 = arith.constant 57344 : i32
    %dma_start3A_102 = tpu.memref_slice %arg8[%dma_start3A_101] : memref<86016xf32, #tpu.memory_space<vmem>> -> memref<14336xf32, #tpu.memory_space<vmem>>
    %dma_start3A_103 = arith.constant 57344 : i32
    %dma_start3A_104 = tpu.memref_slice %arg13[%dma_start3A_103] : memref<86016xf32, #tpu.memory_space<vmem_shared>> -> memref<14336xf32, #tpu.memory_space<vmem_shared>>
    tpu.enqueue_dma source(%dma_start3A_104 : memref<14336xf32, #tpu.memory_space<vmem_shared>>) target(%dma_start3A_102 : memref<14336xf32, #tpu.memory_space<vmem>>) target_semaphore(%arg17 : memref<!tpu.dma_semaphore, #tpu.memory_space<semaphore_mem>>)
    %dma_wait3A_105 = arith.constant 0 : i32
    %dma_wait3A_106 = tpu.memref_slice %arg2[%dma_wait3A_105, %add3A_22] : memref<8x28672xf32, #tpu.memory_space<hbm>> -> memref<8x896xf32, #tpu.memory_space<hbm>>
    %dma_wait3A_107 = arith.constant 0 : i32
    %dma_wait3A_108 = tpu.memref_slice %arg2[%dma_wait3A_107, %add3A_22] : memref<8x28672xf32, #tpu.memory_space<hbm>> -> memref<8x896xf32, #tpu.memory_space<hbm>>
    tpu.wait_dma2 semaphore(%arg18 : memref<!tpu.dma_semaphore, #tpu.memory_space<semaphore_mem>>) src(%dma_wait3A_108 : memref<8x896xf32, #tpu.memory_space<hbm>>) dst(%arg6 : memref<8x896xf32, #tpu.memory_space<vmem>>)
    %parallel_loop3A_109 = arith.constant 0 : i32
    %parallel_loop3A_110 = arith.constant 56 : i32
    %parallel_loop3A_111 = arith.constant 1 : i32
    scf.for %parallel_loop3A_256 = %parallel_loop3A_109 to %parallel_loop3A_110 step %parallel_loop3A_111  : i32 {
      %parallel_loop3A_257 = arith.constant 16 : i32
      %parallel_loop3A_258 = arith.muli %parallel_loop3A_256, %parallel_loop3A_257 : i32
      %parallel_loop3A_259 = arith.constant 0 : i32
      %parallel_loop3A_260 = arith.index_cast %parallel_loop3A_259 : i32 to index
      %parallel_loop3A_261 = arith.index_cast %parallel_loop3A_258 : i32 to index
      %parallel_loop3A_262 = tpu.vector_load %arg6[%parallel_loop3A_260, %parallel_loop3A_261] {strides = array<i32>} : memref<8x896xf32, #tpu.memory_space<vmem>>, vector<16xf32>,
      %parallel_loop3A_263 = arith.constant 3 : i32
      %parallel_loop3A_264 = arith.index_cast %parallel_loop3A_263 : i32 to index
      %parallel_loop3A_265 = arith.index_cast %parallel_loop3A_258 : i32 to index
      %parallel_loop3A_266 = tpu.vector_load %arg6[%parallel_loop3A_264, %parallel_loop3A_265] {strides = array<i32>} : memref<8x896xf32, #tpu.memory_space<vmem>>, vector<16xf32>,
      %parallel_loop3A_267 = arith.subf %parallel_loop3A_262, %parallel_loop3A_266 : vector<16xf32>
      %parallel_loop3A_268 = arith.constant 0 : i32
      %parallel_loop3A_269 = arith.addi %parallel_loop3A_268, %parallel_loop3A_258 : i32
      %parallel_loop3A_270 = arith.index_cast %parallel_loop3A_269 : i32 to index
      %parallel_loop3A_271 = tpu.vector_load %arg7[%parallel_loop3A_270] {strides = array<i32>} : memref<2688xf32, #tpu.memory_space<vmem>>, vector<16xf32>,
      tpu.vector_store %arg7[%parallel_loop3A_270], %parallel_loop3A_267 {strides = array<i32>} : memref<2688xf32, #tpu.memory_space<vmem>>, vector<16xf32>,
    } {sc.loop_unroll_factor = 4 : i64, sc.parallel_access}
    %parallel_loop3A_112 = arith.constant 0 : i32
    %parallel_loop3A_113 = arith.constant 56 : i32
    %parallel_loop3A_114 = arith.constant 1 : i32
    scf.for %parallel_loop3A_256 = %parallel_loop3A_112 to %parallel_loop3A_113 step %parallel_loop3A_114  : i32 {
      %parallel_loop3A_257 = arith.constant 16 : i32
      %parallel_loop3A_258 = arith.muli %parallel_loop3A_256, %parallel_loop3A_257 : i32
      %parallel_loop3A_259 = arith.constant 1 : i32
      %parallel_loop3A_260 = arith.index_cast %parallel_loop3A_259 : i32 to index
      %parallel_loop3A_261 = arith.index_cast %parallel_loop3A_258 : i32 to index
      %parallel_loop3A_262 = tpu.vector_load %arg6[%parallel_loop3A_260, %parallel_loop3A_261] {strides = array<i32>} : memref<8x896xf32, #tpu.memory_space<vmem>>, vector<16xf32>,
      %parallel_loop3A_263 = arith.constant 4 : i32
      %parallel_loop3A_264 = arith.index_cast %parallel_loop3A_263 : i32 to index
      %parallel_loop3A_265 = arith.index_cast %parallel_loop3A_258 : i32 to index
      %parallel_loop3A_266 = tpu.vector_load %arg6[%parallel_loop3A_264, %parallel_loop3A_265] {strides = array<i32>} : memref<8x896xf32, #tpu.memory_space<vmem>>, vector<16xf32>,
      %parallel_loop3A_267 = arith.subf %parallel_loop3A_262, %parallel_loop3A_266 : vector<16xf32>
      %parallel_loop3A_268 = arith.constant 896 : i32
      %parallel_loop3A_269 = arith.addi %parallel_loop3A_268, %parallel_loop3A_258 : i32
      %parallel_loop3A_270 = arith.index_cast %parallel_loop3A_269 : i32 to index
      %parallel_loop3A_271 = tpu.vector_load %arg7[%parallel_loop3A_270] {strides = array<i32>} : memref<2688xf32, #tpu.memory_space<vmem>>, vector<16xf32>,
      tpu.vector_store %arg7[%parallel_loop3A_270], %parallel_loop3A_267 {strides = array<i32>} : memref<2688xf32, #tpu.memory_space<vmem>>, vector<16xf32>,
    } {sc.loop_unroll_factor = 4 : i64, sc.parallel_access}
    %parallel_loop3A_115 = arith.constant 0 : i32
    %parallel_loop3A_116 = arith.constant 56 : i32
    %parallel_loop3A_117 = arith.constant 1 : i32
    scf.for %parallel_loop3A_256 = %parallel_loop3A_115 to %parallel_loop3A_116 step %parallel_loop3A_117  : i32 {
      %parallel_loop3A_257 = arith.constant 16 : i32
      %parallel_loop3A_258 = arith.muli %parallel_loop3A_256, %parallel_loop3A_257 : i32
      %parallel_loop3A_259 = arith.constant 2 : i32
      %parallel_loop3A_260 = arith.index_cast %parallel_loop3A_259 : i32 to index
      %parallel_loop3A_261 = arith.index_cast %parallel_loop3A_258 : i32 to index
      %parallel_loop3A_262 = tpu.vector_load %arg6[%parallel_loop3A_260, %parallel_loop3A_261] {strides = array<i32>} : memref<8x896xf32, #tpu.memory_space<vmem>>, vector<16xf32>,
      %parallel_loop3A_263 = arith.constant 5 : i32
      %parallel_loop3A_264 = arith.index_cast %parallel_loop3A_263 : i32 to index
      %parallel_loop3A_265 = arith.index_cast %parallel_loop3A_258 : i32 to index
      %parallel_loop3A_266 = tpu.vector_load %arg6[%parallel_loop3A_264, %parallel_loop3A_265] {strides = array<i32>} : memref<8x896xf32, #tpu.memory_space<vmem>>, vector<16xf32>,
      %parallel_loop3A_267 = arith.subf %parallel_loop3A_262, %parallel_loop3A_266 : vector<16xf32>
      %parallel_loop3A_268 = arith.constant 1792 : i32
      %parallel_loop3A_269 = arith.addi %parallel_loop3A_268, %parallel_loop3A_258 : i32
      %parallel_loop3A_270 = arith.index_cast %parallel_loop3A_269 : i32 to index
      %parallel_loop3A_271 = tpu.vector_load %arg7[%parallel_loop3A_270] {strides = array<i32>} : memref<2688xf32, #tpu.memory_space<vmem>>, vector<16xf32>,
      tpu.vector_store %arg7[%parallel_loop3A_270], %parallel_loop3A_267 {strides = array<i32>} : memref<2688xf32, #tpu.memory_space<vmem>>, vector<16xf32>,
    } {sc.loop_unroll_factor = 4 : i64, sc.parallel_access}
    %mul3A_118 = arith.constant 896 : i32
    %mul3A_119 = arith.muli %arg1, %mul3A_118 : i32
    %add3A_120 = arith.constant 14336 : i32
    %add3A_121 = arith.addi %add3A_120, %mul3A_119 : i32
    %add3A_122 = arith.constant 0 : i32
    %add3A_123 = arith.addi %add3A_122, %add3A_121 : i32
    %dma_start3A_124 = arith.constant 0 : i32
    %dma_start3A_125 = tpu.memref_slice %arg7[%dma_start3A_124] : memref<2688xf32, #tpu.memory_space<vmem>> -> memref<896xf32, #tpu.memory_space<vmem>>
    %dma_start3A_126 = tpu.memref_slice %arg13[%add3A_123] : memref<86016xf32, #tpu.memory_space<vmem_shared>> -> memref<896xf32, #tpu.memory_space<vmem_shared>>
    %dma_start3A_127 = tpu.memref_slice %arg13[%add3A_123] : memref<86016xf32, #tpu.memory_space<vmem_shared>> -> memref<896xf32, #tpu.memory_space<vmem_shared>>
    %dma_start3A_128 = arith.constant 0 : i32
    %dma_start3A_129 = tpu.memref_slice %arg7[%dma_start3A_128] : memref<2688xf32, #tpu.memory_space<vmem>> -> memref<896xf32, #tpu.memory_space<vmem>>
    tpu.enqueue_dma source(%dma_start3A_129 : memref<896xf32, #tpu.memory_space<vmem>>) target(%dma_start3A_127 : memref<896xf32, #tpu.memory_space<vmem_shared>>) target_semaphore(%arg16 : memref<!tpu.dma_semaphore, #tpu.memory_space<semaphore_mem>>)
    %add3A_130 = arith.constant 28672 : i32
    %add3A_131 = arith.addi %add3A_130, %add3A_121 : i32
    %dma_start3A_132 = arith.constant 896 : i32
    %dma_start3A_133 = tpu.memref_slice %arg7[%dma_start3A_132] : memref<2688xf32, #tpu.memory_space<vmem>> -> memref<896xf32, #tpu.memory_space<vmem>>
    %dma_start3A_134 = tpu.memref_slice %arg13[%add3A_131] : memref<86016xf32, #tpu.memory_space<vmem_shared>> -> memref<896xf32, #tpu.memory_space<vmem_shared>>
    %dma_start3A_135 = tpu.memref_slice %arg13[%add3A_131] : memref<86016xf32, #tpu.memory_space<vmem_shared>> -> memref<896xf32, #tpu.memory_space<vmem_shared>>
    %dma_start3A_136 = arith.constant 896 : i32
    %dma_start3A_137 = tpu.memref_slice %arg7[%dma_start3A_136] : memref<2688xf32, #tpu.memory_space<vmem>> -> memref<896xf32, #tpu.memory_space<vmem>>
    tpu.enqueue_dma source(%dma_start3A_137 : memref<896xf32, #tpu.memory_space<vmem>>) target(%dma_start3A_135 : memref<896xf32, #tpu.memory_space<vmem_shared>>) target_semaphore(%arg16 : memref<!tpu.dma_semaphore, #tpu.memory_space<semaphore_mem>>)
    %add3A_138 = arith.constant 57344 : i32
    %add3A_139 = arith.addi %add3A_138, %add3A_121 : i32
    %dma_start3A_140 = arith.constant 1792 : i32
    %dma_start3A_141 = tpu.memref_slice %arg7[%dma_start3A_140] : memref<2688xf32, #tpu.memory_space<vmem>> -> memref<896xf32, #tpu.memory_space<vmem>>
    %dma_start3A_142 = tpu.memref_slice %arg13[%add3A_139] : memref<86016xf32, #tpu.memory_space<vmem_shared>> -> memref<896xf32, #tpu.memory_space<vmem_shared>>
    %dma_start3A_143 = tpu.memref_slice %arg13[%add3A_139] : memref<86016xf32, #tpu.memory_space<vmem_shared>> -> memref<896xf32, #tpu.memory_space<vmem_shared>>
    %dma_start3A_144 = arith.constant 1792 : i32
    %dma_start3A_145 = tpu.memref_slice %arg7[%dma_start3A_144] : memref<2688xf32, #tpu.memory_space<vmem>> -> memref<896xf32, #tpu.memory_space<vmem>>
    tpu.enqueue_dma source(%dma_start3A_145 : memref<896xf32, #tpu.memory_space<vmem>>) target(%dma_start3A_143 : memref<896xf32, #tpu.memory_space<vmem_shared>>) target_semaphore(%arg16 : memref<!tpu.dma_semaphore, #tpu.memory_space<semaphore_mem>>)
    %dma_wait3A_146 = arith.constant 0 : i32
    %dma_wait3A_147 = tpu.memref_slice %arg7[%dma_wait3A_146] : memref<2688xf32, #tpu.memory_space<vmem>> -> memref<896xf32, #tpu.memory_space<vmem>>
    %dma_wait3A_148 = tpu.memref_slice %arg13[%add3A_123] : memref<86016xf32, #tpu.memory_space<vmem_shared>> -> memref<896xf32, #tpu.memory_space<vmem_shared>>
    %dma_wait3A_149 = tpu.memref_slice %arg13[%add3A_123] : memref<86016xf32, #tpu.memory_space<vmem_shared>> -> memref<896xf32, #tpu.memory_space<vmem_shared>>
    %dma_wait3A_150 = arith.constant 0 : i32
    %dma_wait3A_151 = tpu.memref_slice %arg7[%dma_wait3A_150] : memref<2688xf32, #tpu.memory_space<vmem>> -> memref<896xf32, #tpu.memory_space<vmem>>
    tpu.wait_dma2 semaphore(%arg16 : memref<!tpu.dma_semaphore, #tpu.memory_space<semaphore_mem>>) src(%dma_wait3A_151 : memref<896xf32, #tpu.memory_space<vmem>>) dst(%dma_wait3A_149 : memref<896xf32, #tpu.memory_space<vmem_shared>>)
    %dma_wait3A_152 = arith.constant 896 : i32
    %dma_wait3A_153 = tpu.memref_slice %arg7[%dma_wait3A_152] : memref<2688xf32, #tpu.memory_space<vmem>> -> memref<896xf32, #tpu.memory_space<vmem>>
    %dma_wait3A_154 = tpu.memref_slice %arg13[%add3A_131] : memref<86016xf32, #tpu.memory_space<vmem_shared>> -> memref<896xf32, #tpu.memory_space<vmem_shared>>
    %dma_wait3A_155 = tpu.memref_slice %arg13[%add3A_131] : memref<86016xf32, #tpu.memory_space<vmem_shared>> -> memref<896xf32, #tpu.memory_space<vmem_shared>>
    %dma_wait3A_156 = arith.constant 896 : i32
    %dma_wait3A_157 = tpu.memref_slice %arg7[%dma_wait3A_156] : memref<2688xf32, #tpu.memory_space<vmem>> -> memref<896xf32, #tpu.memory_space<vmem>>
    tpu.wait_dma2 semaphore(%arg16 : memref<!tpu.dma_semaphore, #tpu.memory_space<semaphore_mem>>) src(%dma_wait3A_157 : memref<896xf32, #tpu.memory_space<vmem>>) dst(%dma_wait3A_155 : memref<896xf32, #tpu.memory_space<vmem_shared>>)
    %dma_wait3A_158 = arith.constant 1792 : i32
    %dma_wait3A_159 = tpu.memref_slice %arg7[%dma_wait3A_158] : memref<2688xf32, #tpu.memory_space<vmem>> -> memref<896xf32, #tpu.memory_space<vmem>>
    %dma_wait3A_160 = tpu.memref_slice %arg13[%add3A_139] : memref<86016xf32, #tpu.memory_space<vmem_shared>> -> memref<896xf32, #tpu.memory_space<vmem_shared>>
    %dma_wait3A_161 = tpu.memref_slice %arg13[%add3A_139] : memref<86016xf32, #tpu.memory_space<vmem_shared>> -> memref<896xf32, #tpu.memory_space<vmem_shared>>
    %dma_wait3A_162 = arith.constant 1792 : i32
    %dma_wait3A_163 = tpu.memref_slice %arg7[%dma_wait3A_162] : memref<2688xf32, #tpu.memory_space<vmem>> -> memref<896xf32, #tpu.memory_space<vmem>>
    tpu.wait_dma2 semaphore(%arg16 : memref<!tpu.dma_semaphore, #tpu.memory_space<semaphore_mem>>) src(%dma_wait3A_163 : memref<896xf32, #tpu.memory_space<vmem>>) dst(%dma_wait3A_161 : memref<896xf32, #tpu.memory_space<vmem_shared>>)
    %barrier3A_164 = arith.constant 0 : index
    tpu.barrier barrier_id(%barrier3A_164)
    %dma_start3A_165 = arith.constant 14336 : i32
    %dma_start3A_166 = tpu.memref_slice %arg8[%dma_start3A_165] : memref<86016xf32, #tpu.memory_space<vmem>> -> memref<14336xf32, #tpu.memory_space<vmem>>
    %dma_start3A_167 = arith.constant 14336 : i32
    %dma_start3A_168 = tpu.memref_slice %arg13[%dma_start3A_167] : memref<86016xf32, #tpu.memory_space<vmem_shared>> -> memref<14336xf32, #tpu.memory_space<vmem_shared>>
    %dma_start3A_169 = arith.constant 14336 : i32
    %dma_start3A_170 = tpu.memref_slice %arg8[%dma_start3A_169] : memref<86016xf32, #tpu.memory_space<vmem>> -> memref<14336xf32, #tpu.memory_space<vmem>>
    %dma_start3A_171 = arith.constant 14336 : i32
    %dma_start3A_172 = tpu.memref_slice %arg13[%dma_start3A_171] : memref<86016xf32, #tpu.memory_space<vmem_shared>> -> memref<14336xf32, #tpu.memory_space<vmem_shared>>
    tpu.enqueue_dma source(%dma_start3A_172 : memref<14336xf32, #tpu.memory_space<vmem_shared>>) target(%dma_start3A_170 : memref<14336xf32, #tpu.memory_space<vmem>>) target_semaphore(%arg17 : memref<!tpu.dma_semaphore, #tpu.memory_space<semaphore_mem>>)
    %dma_start3A_173 = arith.constant 43008 : i32
    %dma_start3A_174 = tpu.memref_slice %arg8[%dma_start3A_173] : memref<86016xf32, #tpu.memory_space<vmem>> -> memref<14336xf32, #tpu.memory_space<vmem>>
    %dma_start3A_175 = arith.constant 43008 : i32
    %dma_start3A_176 = tpu.memref_slice %arg13[%dma_start3A_175] : memref<86016xf32, #tpu.memory_space<vmem_shared>> -> memref<14336xf32, #tpu.memory_space<vmem_shared>>
    %dma_start3A_177 = arith.constant 43008 : i32
    %dma_start3A_178 = tpu.memref_slice %arg8[%dma_start3A_177] : memref<86016xf32, #tpu.memory_space<vmem>> -> memref<14336xf32, #tpu.memory_space<vmem>>
    %dma_start3A_179 = arith.constant 43008 : i32
    %dma_start3A_180 = tpu.memref_slice %arg13[%dma_start3A_179] : memref<86016xf32, #tpu.memory_space<vmem_shared>> -> memref<14336xf32, #tpu.memory_space<vmem_shared>>
    tpu.enqueue_dma source(%dma_start3A_180 : memref<14336xf32, #tpu.memory_space<vmem_shared>>) target(%dma_start3A_178 : memref<14336xf32, #tpu.memory_space<vmem>>) target_semaphore(%arg17 : memref<!tpu.dma_semaphore, #tpu.memory_space<semaphore_mem>>)
    %dma_start3A_181 = arith.constant 71680 : i32
    %dma_start3A_182 = tpu.memref_slice %arg8[%dma_start3A_181] : memref<86016xf32, #tpu.memory_space<vmem>> -> memref<14336xf32, #tpu.memory_space<vmem>>
    %dma_start3A_183 = arith.constant 71680 : i32
    %dma_start3A_184 = tpu.memref_slice %arg13[%dma_start3A_183] : memref<86016xf32, #tpu.memory_space<vmem_shared>> -> memref<14336xf32, #tpu.memory_space<vmem_shared>>
    %dma_start3A_185 = arith.constant 71680 : i32
    %dma_start3A_186 = tpu.memref_slice %arg8[%dma_start3A_185] : memref<86016xf32, #tpu.memory_space<vmem>> -> memref<14336xf32, #tpu.memory_space<vmem>>
    %dma_start3A_187 = arith.constant 71680 : i32
    %dma_start3A_188 = tpu.memref_slice %arg13[%dma_start3A_187] : memref<86016xf32, #tpu.memory_space<vmem_shared>> -> memref<14336xf32, #tpu.memory_space<vmem_shared>>
    tpu.enqueue_dma source(%dma_start3A_188 : memref<14336xf32, #tpu.memory_space<vmem_shared>>) target(%dma_start3A_186 : memref<14336xf32, #tpu.memory_space<vmem>>) target_semaphore(%arg17 : memref<!tpu.dma_semaphore, #tpu.memory_space<semaphore_mem>>)
    %dma_wait3A_189 = arith.constant 0 : i32
    %dma_wait3A_190 = tpu.memref_slice %arg8[%dma_wait3A_189] : memref<86016xf32, #tpu.memory_space<vmem>> -> memref<14336xf32, #tpu.memory_space<vmem>>
    %dma_wait3A_191 = arith.constant 0 : i32
    %dma_wait3A_192 = tpu.memref_slice %arg13[%dma_wait3A_191] : memref<86016xf32, #tpu.memory_space<vmem_shared>> -> memref<14336xf32, #tpu.memory_space<vmem_shared>>
    %dma_wait3A_193 = arith.constant 0 : i32
    %dma_wait3A_194 = tpu.memref_slice %arg8[%dma_wait3A_193] : memref<86016xf32, #tpu.memory_space<vmem>> -> memref<14336xf32, #tpu.memory_space<vmem>>
    %dma_wait3A_195 = arith.constant 0 : i32
    %dma_wait3A_196 = tpu.memref_slice %arg13[%dma_wait3A_195] : memref<86016xf32, #tpu.memory_space<vmem_shared>> -> memref<14336xf32, #tpu.memory_space<vmem_shared>>
    tpu.wait_dma2 semaphore(%arg17 : memref<!tpu.dma_semaphore, #tpu.memory_space<semaphore_mem>>) src(%dma_wait3A_196 : memref<14336xf32, #tpu.memory_space<vmem_shared>>) dst(%dma_wait3A_194 : memref<14336xf32, #tpu.memory_space<vmem>>)
    %dma_wait3A_197 = arith.constant 28672 : i32
    %dma_wait3A_198 = tpu.memref_slice %arg8[%dma_wait3A_197] : memref<86016xf32, #tpu.memory_space<vmem>> -> memref<14336xf32, #tpu.memory_space<vmem>>
    %dma_wait3A_199 = arith.constant 28672 : i32
    %dma_wait3A_200 = tpu.memref_slice %arg13[%dma_wait3A_199] : memref<86016xf32, #tpu.memory_space<vmem_shared>> -> memref<14336xf32, #tpu.memory_space<vmem_shared>>
    %dma_wait3A_201 = arith.constant 28672 : i32
    %dma_wait3A_202 = tpu.memref_slice %arg8[%dma_wait3A_201] : memref<86016xf32, #tpu.memory_space<vmem>> -> memref<14336xf32, #tpu.memory_space<vmem>>
    %dma_wait3A_203 = arith.constant 28672 : i32
    %dma_wait3A_204 = tpu.memref_slice %arg13[%dma_wait3A_203] : memref<86016xf32, #tpu.memory_space<vmem_shared>> -> memref<14336xf32, #tpu.memory_space<vmem_shared>>
    tpu.wait_dma2 semaphore(%arg17 : memref<!tpu.dma_semaphore, #tpu.memory_space<semaphore_mem>>) src(%dma_wait3A_204 : memref<14336xf32, #tpu.memory_space<vmem_shared>>) dst(%dma_wait3A_202 : memref<14336xf32, #tpu.memory_space<vmem>>)
    %dma_wait3A_205 = arith.constant 57344 : i32
    %dma_wait3A_206 = tpu.memref_slice %arg8[%dma_wait3A_205] : memref<86016xf32, #tpu.memory_space<vmem>> -> memref<14336xf32, #tpu.memory_space<vmem>>
    %dma_wait3A_207 = arith.constant 57344 : i32
    %dma_wait3A_208 = tpu.memref_slice %arg13[%dma_wait3A_207] : memref<86016xf32, #tpu.memory_space<vmem_shared>> -> memref<14336xf32, #tpu.memory_space<vmem_shared>>
    %dma_wait3A_209 = arith.constant 57344 : i32
    %dma_wait3A_210 = tpu.memref_slice %arg8[%dma_wait3A_209] : memref<86016xf32, #tpu.memory_space<vmem>> -> memref<14336xf32, #tpu.memory_space<vmem>>
    %dma_wait3A_211 = arith.constant 57344 : i32
    %dma_wait3A_212 = tpu.memref_slice %arg13[%dma_wait3A_211] : memref<86016xf32, #tpu.memory_space<vmem_shared>> -> memref<14336xf32, #tpu.memory_space<vmem_shared>>
    tpu.wait_dma2 semaphore(%arg17 : memref<!tpu.dma_semaphore, #tpu.memory_space<semaphore_mem>>) src(%dma_wait3A_212 : memref<14336xf32, #tpu.memory_space<vmem_shared>>) dst(%dma_wait3A_210 : memref<14336xf32, #tpu.memory_space<vmem>>)
    %dma_wait3A_213 = arith.constant 14336 : i32
    %dma_wait3A_214 = tpu.memref_slice %arg8[%dma_wait3A_213] : memref<86016xf32, #tpu.memory_space<vmem>> -> memref<14336xf32, #tpu.memory_space<vmem>>
    %dma_wait3A_215 = arith.constant 14336 : i32
    %dma_wait3A_216 = tpu.memref_slice %arg13[%dma_wait3A_215] : memref<86016xf32, #tpu.memory_space<vmem_shared>> -> memref<14336xf32, #tpu.memory_space<vmem_shared>>
    %dma_wait3A_217 = arith.constant 14336 : i32
    %dma_wait3A_218 = tpu.memref_slice %arg8[%dma_wait3A_217] : memref<86016xf32, #tpu.memory_space<vmem>> -> memref<14336xf32, #tpu.memory_space<vmem>>
    %dma_wait3A_219 = arith.constant 14336 : i32
    %dma_wait3A_220 = tpu.memref_slice %arg13[%dma_wait3A_219] : memref<86016xf32, #tpu.memory_space<vmem_shared>> -> memref<14336xf32, #tpu.memory_space<vmem_shared>>
    tpu.wait_dma2 semaphore(%arg17 : memref<!tpu.dma_semaphore, #tpu.memory_space<semaphore_mem>>) src(%dma_wait3A_220 : memref<14336xf32, #tpu.memory_space<vmem_shared>>) dst(%dma_wait3A_218 : memref<14336xf32, #tpu.memory_space<vmem>>)
    %dma_wait3A_221 = arith.constant 43008 : i32
    %dma_wait3A_222 = tpu.memref_slice %arg8[%dma_wait3A_221] : memref<86016xf32, #tpu.memory_space<vmem>> -> memref<14336xf32, #tpu.memory_space<vmem>>
    %dma_wait3A_223 = arith.constant 43008 : i32
    %dma_wait3A_224 = tpu.memref_slice %arg13[%dma_wait3A_223] : memref<86016xf32, #tpu.memory_space<vmem_shared>> -> memref<14336xf32, #tpu.memory_space<vmem_shared>>
    %dma_wait3A_225 = arith.constant 43008 : i32
    %dma_wait3A_226 = tpu.memref_slice %arg8[%dma_wait3A_225] : memref<86016xf32, #tpu.memory_space<vmem>> -> memref<14336xf32, #tpu.memory_space<vmem>>
    %dma_wait3A_227 = arith.constant 43008 : i32
    %dma_wait3A_228 = tpu.memref_slice %arg13[%dma_wait3A_227] : memref<86016xf32, #tpu.memory_space<vmem_shared>> -> memref<14336xf32, #tpu.memory_space<vmem_shared>>
    tpu.wait_dma2 semaphore(%arg17 : memref<!tpu.dma_semaphore, #tpu.memory_space<semaphore_mem>>) src(%dma_wait3A_228 : memref<14336xf32, #tpu.memory_space<vmem_shared>>) dst(%dma_wait3A_226 : memref<14336xf32, #tpu.memory_space<vmem>>)
    %dma_wait3A_229 = arith.constant 71680 : i32
    %dma_wait3A_230 = tpu.memref_slice %arg8[%dma_wait3A_229] : memref<86016xf32, #tpu.memory_space<vmem>> -> memref<14336xf32, #tpu.memory_space<vmem>>
    %dma_wait3A_231 = arith.constant 71680 : i32
    %dma_wait3A_232 = tpu.memref_slice %arg13[%dma_wait3A_231] : memref<86016xf32, #tpu.memory_space<vmem_shared>> -> memref<14336xf32, #tpu.memory_space<vmem_shared>>
    %dma_wait3A_233 = arith.constant 71680 : i32
    %dma_wait3A_234 = tpu.memref_slice %arg8[%dma_wait3A_233] : memref<86016xf32, #tpu.memory_space<vmem>> -> memref<14336xf32, #tpu.memory_space<vmem>>
    %dma_wait3A_235 = arith.constant 71680 : i32
    %dma_wait3A_236 = tpu.memref_slice %arg13[%dma_wait3A_235] : memref<86016xf32, #tpu.memory_space<vmem_shared>> -> memref<14336xf32, #tpu.memory_space<vmem_shared>>
    tpu.wait_dma2 semaphore(%arg17 : memref<!tpu.dma_semaphore, #tpu.memory_space<semaphore_mem>>) src(%dma_wait3A_236 : memref<14336xf32, #tpu.memory_space<vmem_shared>>) dst(%dma_wait3A_234 : memref<14336xf32, #tpu.memory_space<vmem>>)
    %dma_wait3A_237 = arith.constant 0 : i32
    %dma_wait3A_238 = tpu.memref_slice %arg3[%dma_wait3A_237, %mul3A_2] : memref<9x28672xi32, #tpu.memory_space<hbm>> -> memref<9x896xi32, #tpu.memory_space<hbm>>
    %dma_wait3A_239 = arith.constant 0 : i32
    %dma_wait3A_240 = tpu.memref_slice %arg3[%dma_wait3A_239, %mul3A_2] : memref<9x28672xi32, #tpu.memory_space<hbm>> -> memref<9x896xi32, #tpu.memory_space<hbm>>
    tpu.wait_dma2 semaphore(%arg15 : memref<!tpu.dma_semaphore, #tpu.memory_space<semaphore_mem>>) src(%dma_wait3A_240 : memref<9x896xi32, #tpu.memory_space<hbm>>) dst(%arg10 : memref<9x896xi32, #tpu.memory_space<vmem>>)
    %dma_wait3A_241 = arith.constant 0 : i32
    %dma_wait3A_242 = tpu.memref_slice %arg2[%dma_wait3A_241, %mul3A_2] : memref<8x28672xf32, #tpu.memory_space<hbm>> -> memref<8x896xf32, #tpu.memory_space<hbm>>
    %dma_wait3A_243 = arith.constant 0 : i32
    %dma_wait3A_244 = tpu.memref_slice %arg2[%dma_wait3A_243, %mul3A_2] : memref<8x28672xf32, #tpu.memory_space<hbm>> -> memref<8x896xf32, #tpu.memory_space<hbm>>
    tpu.wait_dma2 semaphore(%arg15 : memref<!tpu.dma_semaphore, #tpu.memory_space<semaphore_mem>>) src(%dma_wait3A_244 : memref<8x896xf32, #tpu.memory_space<hbm>>) dst(%arg9 : memref<8x896xf32, #tpu.memory_space<vmem>>)
    %broadcast_in_dim3A = arith.constant 0.000000e+00 : f32
    %broadcast_in_dim3A_245 = vector.broadcast %broadcast_in_dim3A : f32 to vector<16xf32>
    %parallel_loop3A_246 = arith.constant 0 : i32
    %parallel_loop3A_247 = arith.constant 56 : i32
    %parallel_loop3A_248 = arith.constant 1 : i32
    %parallel_loop3A_249 = scf.for %parallel_loop3A_256 = %parallel_loop3A_246 to %parallel_loop3A_247 step %parallel_loop3A_248 iter_args(%parallel_loop3A_257 = %broadcast_in_dim3A_245) -> (vector<16xf32>)  : i32 {
      %parallel_loop3A_258 = arith.constant 16 : i32
      %parallel_loop3A_259 = arith.muli %parallel_loop3A_256, %parallel_loop3A_258 : i32
      %parallel_loop3A_260 = arith.constant 0 : i32
      %parallel_loop3A_261 = arith.index_cast %parallel_loop3A_260 : i32 to index
      %parallel_loop3A_262 = arith.index_cast %parallel_loop3A_259 : i32 to index
      %parallel_loop3A_263 = tpu.vector_load %arg10[%parallel_loop3A_261, %parallel_loop3A_262] {strides = array<i32>} : memref<9x896xi32, #tpu.memory_space<vmem>>, vector<16xi32>,
      %parallel_loop3A_264 = arith.constant 1 : i32
      %parallel_loop3A_265 = arith.index_cast %parallel_loop3A_264 : i32 to index
      %parallel_loop3A_266 = arith.index_cast %parallel_loop3A_259 : i32 to index
      %parallel_loop3A_267 = tpu.vector_load %arg10[%parallel_loop3A_265, %parallel_loop3A_266] {strides = array<i32>} : memref<9x896xi32, #tpu.memory_space<vmem>>, vector<16xi32>,
      %parallel_loop3A_268 = arith.constant 2 : i32
      %parallel_loop3A_269 = arith.index_cast %parallel_loop3A_268 : i32 to index
      %parallel_loop3A_270 = arith.index_cast %parallel_loop3A_259 : i32 to index
      %parallel_loop3A_271 = tpu.vector_load %arg10[%parallel_loop3A_269, %parallel_loop3A_270] {strides = array<i32>} : memref<9x896xi32, #tpu.memory_space<vmem>>, vector<16xi32>,
      %parallel_loop3A_272 = arith.constant 3 : i32
      %parallel_loop3A_273 = arith.index_cast %parallel_loop3A_272 : i32 to index
      %parallel_loop3A_274 = arith.index_cast %parallel_loop3A_259 : i32 to index
      %parallel_loop3A_275 = tpu.vector_load %arg10[%parallel_loop3A_273, %parallel_loop3A_274] {strides = array<i32>} : memref<9x896xi32, #tpu.memory_space<vmem>>, vector<16xi32>,
      %parallel_loop3A_276 = arith.constant 4 : i32
      %parallel_loop3A_277 = arith.index_cast %parallel_loop3A_276 : i32 to index
      %parallel_loop3A_278 = arith.index_cast %parallel_loop3A_259 : i32 to index
      %parallel_loop3A_279 = tpu.vector_load %arg10[%parallel_loop3A_277, %parallel_loop3A_278] {strides = array<i32>} : memref<9x896xi32, #tpu.memory_space<vmem>>, vector<16xi32>,
      %parallel_loop3A_280 = arith.constant 5 : i32
      %parallel_loop3A_281 = arith.index_cast %parallel_loop3A_280 : i32 to index
      %parallel_loop3A_282 = arith.index_cast %parallel_loop3A_259 : i32 to index
      %parallel_loop3A_283 = tpu.vector_load %arg10[%parallel_loop3A_281, %parallel_loop3A_282] {strides = array<i32>} : memref<9x896xi32, #tpu.memory_space<vmem>>, vector<16xi32>,
      %parallel_loop3A_284 = arith.constant 6 : i32
      %parallel_loop3A_285 = arith.index_cast %parallel_loop3A_284 : i32 to index
      %parallel_loop3A_286 = arith.index_cast %parallel_loop3A_259 : i32 to index
      %parallel_loop3A_287 = tpu.vector_load %arg10[%parallel_loop3A_285, %parallel_loop3A_286] {strides = array<i32>} : memref<9x896xi32, #tpu.memory_space<vmem>>, vector<16xi32>,
      %parallel_loop3A_288 = arith.constant 7 : i32
      %parallel_loop3A_289 = arith.index_cast %parallel_loop3A_288 : i32 to index
      %parallel_loop3A_290 = arith.index_cast %parallel_loop3A_259 : i32 to index
      %parallel_loop3A_291 = tpu.vector_load %arg10[%parallel_loop3A_289, %parallel_loop3A_290] {strides = array<i32>} : memref<9x896xi32, #tpu.memory_space<vmem>>, vector<16xi32>,
      %parallel_loop3A_292 = arith.constant 8 : i32
      %parallel_loop3A_293 = arith.index_cast %parallel_loop3A_292 : i32 to index
      %parallel_loop3A_294 = arith.index_cast %parallel_loop3A_259 : i32 to index
      %parallel_loop3A_295 = tpu.vector_load %arg10[%parallel_loop3A_293, %parallel_loop3A_294] {strides = array<i32>} : memref<9x896xi32, #tpu.memory_space<vmem>>, vector<16xi32>,
      %parallel_loop3A_296 = tpu.vector_load_idx %arg8[%parallel_loop3A_263] : memref<86016xf32, #tpu.memory_space<vmem>>[vector<16xi32>], vector<16xf32>,
      %parallel_loop3A_297 = tpu.vector_load_idx %arg8[%parallel_loop3A_267] : memref<86016xf32, #tpu.memory_space<vmem>>[vector<16xi32>], vector<16xf32>,
      %parallel_loop3A_298 = tpu.vector_load_idx %arg8[%parallel_loop3A_271] : memref<86016xf32, #tpu.memory_space<vmem>>[vector<16xi32>], vector<16xf32>,
      %parallel_loop3A_299 = tpu.vector_load_idx %arg8[%parallel_loop3A_275] : memref<86016xf32, #tpu.memory_space<vmem>>[vector<16xi32>], vector<16xf32>,
      %parallel_loop3A_300 = tpu.vector_load_idx %arg8[%parallel_loop3A_279] : memref<86016xf32, #tpu.memory_space<vmem>>[vector<16xi32>], vector<16xf32>,
      %parallel_loop3A_301 = tpu.vector_load_idx %arg8[%parallel_loop3A_283] : memref<86016xf32, #tpu.memory_space<vmem>>[vector<16xi32>], vector<16xf32>,
      %parallel_loop3A_302 = tpu.vector_load_idx %arg8[%parallel_loop3A_287] : memref<86016xf32, #tpu.memory_space<vmem>>[vector<16xi32>], vector<16xf32>,
      %parallel_loop3A_303 = tpu.vector_load_idx %arg8[%parallel_loop3A_291] : memref<86016xf32, #tpu.memory_space<vmem>>[vector<16xi32>], vector<16xf32>,
      %parallel_loop3A_304 = tpu.vector_load_idx %arg8[%parallel_loop3A_295] : memref<86016xf32, #tpu.memory_space<vmem>>[vector<16xi32>], vector<16xf32>,
      %parallel_loop3A_305 = arith.addf %parallel_loop3A_296, %parallel_loop3A_297 : vector<16xf32>
      %parallel_loop3A_306 = arith.addf %parallel_loop3A_298, %parallel_loop3A_299 : vector<16xf32>
      %parallel_loop3A_307 = arith.addf %parallel_loop3A_300, %parallel_loop3A_301 : vector<16xf32>
      %parallel_loop3A_308 = arith.addf %parallel_loop3A_302, %parallel_loop3A_303 : vector<16xf32>
      %parallel_loop3A_309 = arith.addf %parallel_loop3A_305, %parallel_loop3A_306 : vector<16xf32>
      %parallel_loop3A_310 = arith.addf %parallel_loop3A_307, %parallel_loop3A_308 : vector<16xf32>
      %parallel_loop3A_311 = arith.addf %parallel_loop3A_309, %parallel_loop3A_310 : vector<16xf32>
      %parallel_loop3A_312 = arith.addf %parallel_loop3A_311, %parallel_loop3A_304 : vector<16xf32>
      %parallel_loop3A_313 = arith.constant 28672 : i32
      %parallel_loop3A_314 = vector.broadcast %parallel_loop3A_313 : i32 to vector<16xi32>
      %parallel_loop3A_315 = arith.addi %parallel_loop3A_263, %parallel_loop3A_314 : vector<16xi32>
      %parallel_loop3A_316 = tpu.vector_load_idx %arg8[%parallel_loop3A_315] : memref<86016xf32, #tpu.memory_space<vmem>>[vector<16xi32>], vector<16xf32>,
      %parallel_loop3A_317 = arith.constant 28672 : i32
      %parallel_loop3A_318 = vector.broadcast %parallel_loop3A_317 : i32 to vector<16xi32>
      %parallel_loop3A_319 = arith.addi %parallel_loop3A_267, %parallel_loop3A_318 : vector<16xi32>
      %parallel_loop3A_320 = tpu.vector_load_idx %arg8[%parallel_loop3A_319] : memref<86016xf32, #tpu.memory_space<vmem>>[vector<16xi32>], vector<16xf32>,
      %parallel_loop3A_321 = arith.constant 28672 : i32
      %parallel_loop3A_322 = vector.broadcast %parallel_loop3A_321 : i32 to vector<16xi32>
      %parallel_loop3A_323 = arith.addi %parallel_loop3A_271, %parallel_loop3A_322 : vector<16xi32>
      %parallel_loop3A_324 = tpu.vector_load_idx %arg8[%parallel_loop3A_323] : memref<86016xf32, #tpu.memory_space<vmem>>[vector<16xi32>], vector<16xf32>,
      %parallel_loop3A_325 = arith.constant 28672 : i32
      %parallel_loop3A_326 = vector.broadcast %parallel_loop3A_325 : i32 to vector<16xi32>
      %parallel_loop3A_327 = arith.addi %parallel_loop3A_275, %parallel_loop3A_326 : vector<16xi32>
      %parallel_loop3A_328 = tpu.vector_load_idx %arg8[%parallel_loop3A_327] : memref<86016xf32, #tpu.memory_space<vmem>>[vector<16xi32>], vector<16xf32>,
      %parallel_loop3A_329 = arith.constant 28672 : i32
      %parallel_loop3A_330 = vector.broadcast %parallel_loop3A_329 : i32 to vector<16xi32>
      %parallel_loop3A_331 = arith.addi %parallel_loop3A_279, %parallel_loop3A_330 : vector<16xi32>
      %parallel_loop3A_332 = tpu.vector_load_idx %arg8[%parallel_loop3A_331] : memref<86016xf32, #tpu.memory_space<vmem>>[vector<16xi32>], vector<16xf32>,
      %parallel_loop3A_333 = arith.constant 28672 : i32
      %parallel_loop3A_334 = vector.broadcast %parallel_loop3A_333 : i32 to vector<16xi32>
      %parallel_loop3A_335 = arith.addi %parallel_loop3A_283, %parallel_loop3A_334 : vector<16xi32>
      %parallel_loop3A_336 = tpu.vector_load_idx %arg8[%parallel_loop3A_335] : memref<86016xf32, #tpu.memory_space<vmem>>[vector<16xi32>], vector<16xf32>,
      %parallel_loop3A_337 = arith.constant 28672 : i32
      %parallel_loop3A_338 = vector.broadcast %parallel_loop3A_337 : i32 to vector<16xi32>
      %parallel_loop3A_339 = arith.addi %parallel_loop3A_287, %parallel_loop3A_338 : vector<16xi32>
      %parallel_loop3A_340 = tpu.vector_load_idx %arg8[%parallel_loop3A_339] : memref<86016xf32, #tpu.memory_space<vmem>>[vector<16xi32>], vector<16xf32>,
      %parallel_loop3A_341 = arith.constant 28672 : i32
      %parallel_loop3A_342 = vector.broadcast %parallel_loop3A_341 : i32 to vector<16xi32>
      %parallel_loop3A_343 = arith.addi %parallel_loop3A_291, %parallel_loop3A_342 : vector<16xi32>
      %parallel_loop3A_344 = tpu.vector_load_idx %arg8[%parallel_loop3A_343] : memref<86016xf32, #tpu.memory_space<vmem>>[vector<16xi32>], vector<16xf32>,
      %parallel_loop3A_345 = arith.constant 28672 : i32
      %parallel_loop3A_346 = vector.broadcast %parallel_loop3A_345 : i32 to vector<16xi32>
      %parallel_loop3A_347 = arith.addi %parallel_loop3A_295, %parallel_loop3A_346 : vector<16xi32>
      %parallel_loop3A_348 = tpu.vector_load_idx %arg8[%parallel_loop3A_347] : memref<86016xf32, #tpu.memory_space<vmem>>[vector<16xi32>], vector<16xf32>,
      %parallel_loop3A_349 = arith.addf %parallel_loop3A_316, %parallel_loop3A_320 : vector<16xf32>
      %parallel_loop3A_350 = arith.addf %parallel_loop3A_324, %parallel_loop3A_328 : vector<16xf32>
      %parallel_loop3A_351 = arith.addf %parallel_loop3A_332, %parallel_loop3A_336 : vector<16xf32>
      %parallel_loop3A_352 = arith.addf %parallel_loop3A_340, %parallel_loop3A_344 : vector<16xf32>
      %parallel_loop3A_353 = arith.addf %parallel_loop3A_349, %parallel_loop3A_350 : vector<16xf32>
      %parallel_loop3A_354 = arith.addf %parallel_loop3A_351, %parallel_loop3A_352 : vector<16xf32>
      %parallel_loop3A_355 = arith.addf %parallel_loop3A_353, %parallel_loop3A_354 : vector<16xf32>
      %parallel_loop3A_356 = arith.addf %parallel_loop3A_355, %parallel_loop3A_348 : vector<16xf32>
      %parallel_loop3A_357 = arith.constant 57344 : i32
      %parallel_loop3A_358 = vector.broadcast %parallel_loop3A_357 : i32 to vector<16xi32>
      %parallel_loop3A_359 = arith.addi %parallel_loop3A_263, %parallel_loop3A_358 : vector<16xi32>
      %parallel_loop3A_360 = tpu.vector_load_idx %arg8[%parallel_loop3A_359] : memref<86016xf32, #tpu.memory_space<vmem>>[vector<16xi32>], vector<16xf32>,
      %parallel_loop3A_361 = arith.constant 57344 : i32
      %parallel_loop3A_362 = vector.broadcast %parallel_loop3A_361 : i32 to vector<16xi32>
      %parallel_loop3A_363 = arith.addi %parallel_loop3A_267, %parallel_loop3A_362 : vector<16xi32>
      %parallel_loop3A_364 = tpu.vector_load_idx %arg8[%parallel_loop3A_363] : memref<86016xf32, #tpu.memory_space<vmem>>[vector<16xi32>], vector<16xf32>,
      %parallel_loop3A_365 = arith.constant 57344 : i32
      %parallel_loop3A_366 = vector.broadcast %parallel_loop3A_365 : i32 to vector<16xi32>
      %parallel_loop3A_367 = arith.addi %parallel_loop3A_271, %parallel_loop3A_366 : vector<16xi32>
      %parallel_loop3A_368 = tpu.vector_load_idx %arg8[%parallel_loop3A_367] : memref<86016xf32, #tpu.memory_space<vmem>>[vector<16xi32>], vector<16xf32>,
      %parallel_loop3A_369 = arith.constant 57344 : i32
      %parallel_loop3A_370 = vector.broadcast %parallel_loop3A_369 : i32 to vector<16xi32>
      %parallel_loop3A_371 = arith.addi %parallel_loop3A_275, %parallel_loop3A_370 : vector<16xi32>
      %parallel_loop3A_372 = tpu.vector_load_idx %arg8[%parallel_loop3A_371] : memref<86016xf32, #tpu.memory_space<vmem>>[vector<16xi32>], vector<16xf32>,
      %parallel_loop3A_373 = arith.constant 57344 : i32
      %parallel_loop3A_374 = vector.broadcast %parallel_loop3A_373 : i32 to vector<16xi32>
      %parallel_loop3A_375 = arith.addi %parallel_loop3A_279, %parallel_loop3A_374 : vector<16xi32>
      %parallel_loop3A_376 = tpu.vector_load_idx %arg8[%parallel_loop3A_375] : memref<86016xf32, #tpu.memory_space<vmem>>[vector<16xi32>], vector<16xf32>,
      %parallel_loop3A_377 = arith.constant 57344 : i32
      %parallel_loop3A_378 = vector.broadcast %parallel_loop3A_377 : i32 to vector<16xi32>
      %parallel_loop3A_379 = arith.addi %parallel_loop3A_283, %parallel_loop3A_378 : vector<16xi32>
      %parallel_loop3A_380 = tpu.vector_load_idx %arg8[%parallel_loop3A_379] : memref<86016xf32, #tpu.memory_space<vmem>>[vector<16xi32>], vector<16xf32>,
      %parallel_loop3A_381 = arith.constant 57344 : i32
      %parallel_loop3A_382 = vector.broadcast %parallel_loop3A_381 : i32 to vector<16xi32>
      %parallel_loop3A_383 = arith.addi %parallel_loop3A_287, %parallel_loop3A_382 : vector<16xi32>
      %parallel_loop3A_384 = tpu.vector_load_idx %arg8[%parallel_loop3A_383] : memref<86016xf32, #tpu.memory_space<vmem>>[vector<16xi32>], vector<16xf32>,
      %parallel_loop3A_385 = arith.constant 57344 : i32
      %parallel_loop3A_386 = vector.broadcast %parallel_loop3A_385 : i32 to vector<16xi32>
      %parallel_loop3A_387 = arith.addi %parallel_loop3A_291, %parallel_loop3A_386 : vector<16xi32>
      %parallel_loop3A_388 = tpu.vector_load_idx %arg8[%parallel_loop3A_387] : memref<86016xf32, #tpu.memory_space<vmem>>[vector<16xi32>], vector<16xf32>,
      %parallel_loop3A_389 = arith.constant 57344 : i32
      %parallel_loop3A_390 = vector.broadcast %parallel_loop3A_389 : i32 to vector<16xi32>
      %parallel_loop3A_391 = arith.addi %parallel_loop3A_295, %parallel_loop3A_390 : vector<16xi32>
      %parallel_loop3A_392 = tpu.vector_load_idx %arg8[%parallel_loop3A_391] : memref<86016xf32, #tpu.memory_space<vmem>>[vector<16xi32>], vector<16xf32>,
      %parallel_loop3A_393 = arith.addf %parallel_loop3A_360, %parallel_loop3A_364 : vector<16xf32>
      %parallel_loop3A_394 = arith.addf %parallel_loop3A_368, %parallel_loop3A_372 : vector<16xf32>
      %parallel_loop3A_395 = arith.addf %parallel_loop3A_376, %parallel_loop3A_380 : vector<16xf32>
      %parallel_loop3A_396 = arith.addf %parallel_loop3A_384, %parallel_loop3A_388 : vector<16xf32>
      %parallel_loop3A_397 = arith.addf %parallel_loop3A_393, %parallel_loop3A_394 : vector<16xf32>
      %parallel_loop3A_398 = arith.addf %parallel_loop3A_395, %parallel_loop3A_396 : vector<16xf32>
      %parallel_loop3A_399 = arith.addf %parallel_loop3A_397, %parallel_loop3A_398 : vector<16xf32>
      %parallel_loop3A_400 = arith.addf %parallel_loop3A_399, %parallel_loop3A_392 : vector<16xf32>
      %parallel_loop3A_401 = arith.constant 6 : i32
      %parallel_loop3A_402 = arith.index_cast %parallel_loop3A_401 : i32 to index
      %parallel_loop3A_403 = arith.index_cast %parallel_loop3A_259 : i32 to index
      %parallel_loop3A_404 = tpu.vector_load %arg9[%parallel_loop3A_402, %parallel_loop3A_403] {strides = array<i32>} : memref<8x896xf32, #tpu.memory_space<vmem>>, vector<16xf32>,
      %parallel_loop3A_405 = arith.constant 1.000000e-30 : f32
      %parallel_loop3A_406 = vector.broadcast %parallel_loop3A_405 : f32 to vector<16xf32>
      %parallel_loop3A_407 = arith.maximumf %parallel_loop3A_404, %parallel_loop3A_406 : vector<16xf32>
      %parallel_loop3A_408 = arith.constant 1.000000e+00 : f32
      %parallel_loop3A_409 = vector.broadcast %parallel_loop3A_408 : f32 to vector<16xf32>
      %parallel_loop3A_410 = arith.divf %parallel_loop3A_409, %parallel_loop3A_407 : vector<16xf32>
      %parallel_loop3A_411 = arith.addi %mul3A_2, %parallel_loop3A_259 : i32
      %parallel_loop3A_412 = arith.index_cast %parallel_loop3A_411 : i32 to index
      %parallel_loop3A_413 = tpu.vector_load %arg8[%parallel_loop3A_412] {strides = array<i32>} : memref<86016xf32, #tpu.memory_space<vmem>>, vector<16xf32>,
      %parallel_loop3A_414 = arith.mulf %parallel_loop3A_312, %parallel_loop3A_410 : vector<16xf32>
      %parallel_loop3A_415 = arith.subf %parallel_loop3A_413, %parallel_loop3A_414 : vector<16xf32>
      %parallel_loop3A_416 = arith.constant 28672 : i32
      %parallel_loop3A_417 = arith.addi %parallel_loop3A_416, %mul3A_2 : i32
      %parallel_loop3A_418 = arith.addi %parallel_loop3A_417, %parallel_loop3A_259 : i32
      %parallel_loop3A_419 = arith.index_cast %parallel_loop3A_418 : i32 to index
      %parallel_loop3A_420 = tpu.vector_load %arg8[%parallel_loop3A_419] {strides = array<i32>} : memref<86016xf32, #tpu.memory_space<vmem>>, vector<16xf32>,
      %parallel_loop3A_421 = arith.mulf %parallel_loop3A_356, %parallel_loop3A_410 : vector<16xf32>
      %parallel_loop3A_422 = arith.subf %parallel_loop3A_420, %parallel_loop3A_421 : vector<16xf32>
      %parallel_loop3A_423 = arith.constant 57344 : i32
      %parallel_loop3A_424 = arith.addi %parallel_loop3A_423, %mul3A_2 : i32
      %parallel_loop3A_425 = arith.addi %parallel_loop3A_424, %parallel_loop3A_259 : i32
      %parallel_loop3A_426 = arith.index_cast %parallel_loop3A_425 : i32 to index
      %parallel_loop3A_427 = tpu.vector_load %arg8[%parallel_loop3A_426] {strides = array<i32>} : memref<86016xf32, #tpu.memory_space<vmem>>, vector<16xf32>,
      %parallel_loop3A_428 = arith.mulf %parallel_loop3A_400, %parallel_loop3A_410 : vector<16xf32>
      %parallel_loop3A_429 = arith.subf %parallel_loop3A_427, %parallel_loop3A_428 : vector<16xf32>
      %parallel_loop3A_430 = arith.mulf %parallel_loop3A_415, %parallel_loop3A_415 : vector<16xf32>
      %parallel_loop3A_431 = arith.mulf %parallel_loop3A_422, %parallel_loop3A_422 : vector<16xf32>
      %parallel_loop3A_432 = arith.addf %parallel_loop3A_430, %parallel_loop3A_431 : vector<16xf32>
      %parallel_loop3A_433 = arith.mulf %parallel_loop3A_429, %parallel_loop3A_429 : vector<16xf32>
      %parallel_loop3A_434 = arith.addf %parallel_loop3A_432, %parallel_loop3A_433 : vector<16xf32>
      %parallel_loop3A_435 = arith.constant 7 : i32
      %parallel_loop3A_436 = arith.index_cast %parallel_loop3A_435 : i32 to index
      %parallel_loop3A_437 = arith.index_cast %parallel_loop3A_259 : i32 to index
      %parallel_loop3A_438 = tpu.vector_load %arg9[%parallel_loop3A_436, %parallel_loop3A_437] {strides = array<i32>} : memref<8x896xf32, #tpu.memory_space<vmem>>, vector<16xf32>,
      %parallel_loop3A_439 = arith.mulf %parallel_loop3A_434, %parallel_loop3A_438 : vector<16xf32>
      %parallel_loop3A_440 = arith.addf %parallel_loop3A_257, %parallel_loop3A_439 : vector<16xf32>
      scf.yield %parallel_loop3A_440 : vector<16xf32>
    } {sc.loop_unroll_factor = 2 : i64, sc.parallel_access}
    %swap3A = arith.constant 0 : index
    %swap3A_250 = tpu.vector_load %arg11[%swap3A] {strides = array<i32>} : memref<16xf32, #tpu.memory_space<vmem>>, vector<16xf32>,
    tpu.vector_store %arg11[%swap3A], %parallel_loop3A_249 {strides = array<i32>} : memref<16xf32, #tpu.memory_space<vmem>>, vector<16xf32>,
    %mul3A_251 = arith.constant 16 : i32
    %mul3A_252 = arith.muli %arg1, %mul3A_251 : i32
    "tpu.region"() ({
      %run_scoped3A = tpu.sem_alloc : memref<!tpu.dma_semaphore, #tpu.memory_space<semaphore_mem>>
      %dma_start3A_256 = tpu.memref_slice %arg14[%mul3A_252] : memref<256xf32, #tpu.memory_space<vmem_shared>> -> memref<16xf32, #tpu.memory_space<vmem_shared>>
      %dma_start3A_257 = tpu.memref_slice %arg14[%mul3A_252] : memref<256xf32, #tpu.memory_space<vmem_shared>> -> memref<16xf32, #tpu.memory_space<vmem_shared>>
      tpu.enqueue_dma source(%arg11 : memref<16xf32, #tpu.memory_space<vmem>>) target(%dma_start3A_257 : memref<16xf32, #tpu.memory_space<vmem_shared>>) target_semaphore(%run_scoped3A : memref<!tpu.dma_semaphore, #tpu.memory_space<semaphore_mem>>)
      %dma_wait3A_258 = tpu.memref_slice %arg14[%mul3A_252] : memref<256xf32, #tpu.memory_space<vmem_shared>> -> memref<16xf32, #tpu.memory_space<vmem_shared>>
      %dma_wait3A_259 = tpu.memref_slice %arg14[%mul3A_252] : memref<256xf32, #tpu.memory_space<vmem_shared>> -> memref<16xf32, #tpu.memory_space<vmem_shared>>
      tpu.wait_dma2 semaphore(%run_scoped3A : memref<!tpu.dma_semaphore, #tpu.memory_space<semaphore_mem>>) src(%arg11 : memref<16xf32, #tpu.memory_space<vmem>>) dst(%dma_wait3A_259 : memref<16xf32, #tpu.memory_space<vmem_shared>>)
      tpu.yield
    }) : () -> ()
    %barrier3A_253 = arith.constant 0 : index
    tpu.barrier barrier_id(%barrier3A_253)
    %eq3A = arith.constant 0 : i32
    %eq3A_254 = arith.cmpi eq, %arg1, %eq3A : i32
    %convert_element_type3A = arith.extui %eq3A_254 : i1 to i32
    %cond3A = arith.constant 0 : i32
    %cond3A_255 = arith.cmpi ne, %convert_element_type3A, %cond3A : i32
    scf.if %cond3A_255 {
      "tpu.region"() ({
        %run_scoped3A = tpu.sem_alloc : memref<!tpu.dma_semaphore, #tpu.memory_space<semaphore_mem>>
        tpu.enqueue_dma source(%arg14 : memref<256xf32, #tpu.memory_space<vmem_shared>>) target(%arg12 : memref<256xf32, #tpu.memory_space<vmem>>) target_semaphore(%run_scoped3A : memref<!tpu.dma_semaphore, #tpu.memory_space<semaphore_mem>>)
        tpu.wait_dma2 semaphore(%run_scoped3A : memref<!tpu.dma_semaphore, #tpu.memory_space<semaphore_mem>>) src(%arg14 : memref<256xf32, #tpu.memory_space<vmem_shared>>) dst(%arg12 : memref<256xf32, #tpu.memory_space<vmem>>)
        tpu.yield
      }) : () -> ()
      %get3A = arith.constant 0 : index
      %get3A_256 = tpu.vector_load %arg12[%get3A] {strides = array<i32>} : memref<256xf32, #tpu.memory_space<vmem>>, vector<16xf32>,
      %get3A_257 = arith.constant 16 : index
      %get3A_258 = tpu.vector_load %arg12[%get3A_257] {strides = array<i32>} : memref<256xf32, #tpu.memory_space<vmem>>, vector<16xf32>,
      %add3A_259 = arith.addf %get3A_256, %get3A_258 : vector<16xf32>
      %get3A_260 = arith.constant 32 : index
      %get3A_261 = tpu.vector_load %arg12[%get3A_260] {strides = array<i32>} : memref<256xf32, #tpu.memory_space<vmem>>, vector<16xf32>,
      %add3A_262 = arith.addf %add3A_259, %get3A_261 : vector<16xf32>
      %get3A_263 = arith.constant 48 : index
      %get3A_264 = tpu.vector_load %arg12[%get3A_263] {strides = array<i32>} : memref<256xf32, #tpu.memory_space<vmem>>, vector<16xf32>,
      %add3A_265 = arith.addf %add3A_262, %get3A_264 : vector<16xf32>
      %get3A_266 = arith.constant 64 : index
      %get3A_267 = tpu.vector_load %arg12[%get3A_266] {strides = array<i32>} : memref<256xf32, #tpu.memory_space<vmem>>, vector<16xf32>,
      %add3A_268 = arith.addf %add3A_265, %get3A_267 : vector<16xf32>
      %get3A_269 = arith.constant 80 : index
      %get3A_270 = tpu.vector_load %arg12[%get3A_269] {strides = array<i32>} : memref<256xf32, #tpu.memory_space<vmem>>, vector<16xf32>,
      %add3A_271 = arith.addf %add3A_268, %get3A_270 : vector<16xf32>
      %get3A_272 = arith.constant 96 : index
      %get3A_273 = tpu.vector_load %arg12[%get3A_272] {strides = array<i32>} : memref<256xf32, #tpu.memory_space<vmem>>, vector<16xf32>,
      %add3A_274 = arith.addf %add3A_271, %get3A_273 : vector<16xf32>
      %get3A_275 = arith.constant 112 : index
      %get3A_276 = tpu.vector_load %arg12[%get3A_275] {strides = array<i32>} : memref<256xf32, #tpu.memory_space<vmem>>, vector<16xf32>,
      %add3A_277 = arith.addf %add3A_274, %get3A_276 : vector<16xf32>
      %get3A_278 = arith.constant 128 : index
      %get3A_279 = tpu.vector_load %arg12[%get3A_278] {strides = array<i32>} : memref<256xf32, #tpu.memory_space<vmem>>, vector<16xf32>,
      %add3A_280 = arith.addf %add3A_277, %get3A_279 : vector<16xf32>
      %get3A_281 = arith.constant 144 : index
      %get3A_282 = tpu.vector_load %arg12[%get3A_281] {strides = array<i32>} : memref<256xf32, #tpu.memory_space<vmem>>, vector<16xf32>,
      %add3A_283 = arith.addf %add3A_280, %get3A_282 : vector<16xf32>
      %get3A_284 = arith.constant 160 : index
      %get3A_285 = tpu.vector_load %arg12[%get3A_284] {strides = array<i32>} : memref<256xf32, #tpu.memory_space<vmem>>, vector<16xf32>,
      %add3A_286 = arith.addf %add3A_283, %get3A_285 : vector<16xf32>
      %get3A_287 = arith.constant 176 : index
      %get3A_288 = tpu.vector_load %arg12[%get3A_287] {strides = array<i32>} : memref<256xf32, #tpu.memory_space<vmem>>, vector<16xf32>,
      %add3A_289 = arith.addf %add3A_286, %get3A_288 : vector<16xf32>
      %get3A_290 = arith.constant 192 : index
      %get3A_291 = tpu.vector_load %arg12[%get3A_290] {strides = array<i32>} : memref<256xf32, #tpu.memory_space<vmem>>, vector<16xf32>,
      %add3A_292 = arith.addf %add3A_289, %get3A_291 : vector<16xf32>
      %get3A_293 = arith.constant 208 : index
      %get3A_294 = tpu.vector_load %arg12[%get3A_293] {strides = array<i32>} : memref<256xf32, #tpu.memory_space<vmem>>, vector<16xf32>,
      %add3A_295 = arith.addf %add3A_292, %get3A_294 : vector<16xf32>
      %get3A_296 = arith.constant 224 : index
      %get3A_297 = tpu.vector_load %arg12[%get3A_296] {strides = array<i32>} : memref<256xf32, #tpu.memory_space<vmem>>, vector<16xf32>,
      %add3A_298 = arith.addf %add3A_295, %get3A_297 : vector<16xf32>
      %get3A_299 = arith.constant 240 : index
      %get3A_300 = tpu.vector_load %arg12[%get3A_299] {strides = array<i32>} : memref<256xf32, #tpu.memory_space<vmem>>, vector<16xf32>,
      %add3A_301 = arith.addf %add3A_298, %get3A_300 : vector<16xf32>
      %reduce_sum3A = arith.constant true
      %reduce_sum3A_302 = vector.broadcast %reduce_sum3A : i1 to vector<16xi1>
      %reduce_sum3A_303 = tpu.scan <sum>, %add3A_301 masked %reduce_sum3A_302 : vector<16xf32>, vector<16xi1> -> vector<16xf32>
      %reduce_sum3A_304 = vector.extract %reduce_sum3A_303[15] : f32 from vector<16xf32>
      %mul3A_305 = arith.constant 1.20974573E-5 : f32
      %mul3A_306 = arith.mulf %reduce_sum3A_304, %mul3A_305 : f32
      %broadcast_in_dim3A_307 = vector.broadcast %mul3A_306 : f32 to vector<16xf32>
      %swap3A_308 = arith.constant 0 : index
      %swap3A_309 = tpu.vector_load %arg11[%swap3A_308] {strides = array<i32>} : memref<16xf32, #tpu.memory_space<vmem>>, vector<16xf32>,
      tpu.vector_store %arg11[%swap3A_308], %broadcast_in_dim3A_307 {strides = array<i32>} : memref<16xf32, #tpu.memory_space<vmem>>, vector<16xf32>,
      %mul3A_310 = arith.constant 8 : i32
      %mul3A_311 = arith.muli %arg0, %mul3A_310 : i32
      "tpu.region"() ({
        %run_scoped3A = tpu.sem_alloc : memref<!tpu.dma_semaphore, #tpu.memory_space<semaphore_mem>>
        %dma_start3A_312 = arith.constant 0 : i32
        %dma_start3A_313 = tpu.memref_slice %arg11[%dma_start3A_312] : memref<16xf32, #tpu.memory_space<vmem>> -> memref<8xf32, #tpu.memory_space<vmem>>
        %dma_start3A_314 = tpu.memref_slice %arg4[%mul3A_311] : memref<16xf32, #tpu.memory_space<hbm>> -> memref<8xf32, #tpu.memory_space<hbm>>
        %dma_start3A_315 = tpu.memref_slice %arg4[%mul3A_311] : memref<16xf32, #tpu.memory_space<hbm>> -> memref<8xf32, #tpu.memory_space<hbm>>
        %dma_start3A_316 = arith.constant 0 : i32
        %dma_start3A_317 = tpu.memref_slice %arg11[%dma_start3A_316] : memref<16xf32, #tpu.memory_space<vmem>> -> memref<8xf32, #tpu.memory_space<vmem>>
        tpu.enqueue_dma source(%dma_start3A_317 : memref<8xf32, #tpu.memory_space<vmem>>) target(%dma_start3A_315 : memref<8xf32, #tpu.memory_space<hbm>>) target_semaphore(%run_scoped3A : memref<!tpu.dma_semaphore, #tpu.memory_space<semaphore_mem>>)
        %dma_wait3A_318 = arith.constant 0 : i32
        %dma_wait3A_319 = tpu.memref_slice %arg11[%dma_wait3A_318] : memref<16xf32, #tpu.memory_space<vmem>> -> memref<8xf32, #tpu.memory_space<vmem>>
        %dma_wait3A_320 = tpu.memref_slice %arg4[%mul3A_311] : memref<16xf32, #tpu.memory_space<hbm>> -> memref<8xf32, #tpu.memory_space<hbm>>
        %dma_wait3A_321 = tpu.memref_slice %arg4[%mul3A_311] : memref<16xf32, #tpu.memory_space<hbm>> -> memref<8xf32, #tpu.memory_space<hbm>>
        %dma_wait3A_322 = arith.constant 0 : i32
        %dma_wait3A_323 = tpu.memref_slice %arg11[%dma_wait3A_322] : memref<16xf32, #tpu.memory_space<vmem>> -> memref<8xf32, #tpu.memory_space<vmem>>
        tpu.wait_dma2 semaphore(%run_scoped3A : memref<!tpu.dma_semaphore, #tpu.memory_space<semaphore_mem>>) src(%dma_wait3A_323 : memref<8xf32, #tpu.memory_space<vmem>>) dst(%dma_wait3A_321 : memref<8xf32, #tpu.memory_space<hbm>>)
        tpu.yield
      }) : () -> ()
    } else {
    }
    return
  }
}

</mosaic_0001>

<sc_bundles>
// kernel: kernel.3.cloned.1.call-start
scs
__scs_entry_jumppad:
0x0: {  	(pc) =	sbr.rel $0x88, $3  }
0x1: {  	(tag) =	ssettag $0x0;
	lr =	simm.s32 $0x1  }
0x2: {  	[smem:$0x3F9C] =	sst lr;
	_ =	strace $0xD0000000  }
0x3: {  	_ = 	snop  }
0x4: {  	_ = 	snop  }
0x5: {  	_ = 	snop  }
0x6: {  	_ = 	snop  }
0x7: {  	_ = 	snop  }
__scs_overlays_trampoline_lowered:
0x8: {  	[smem:$0x3FAB] =	sst s0  }
0x9: {  	[smem:$0x3FAC] =	sst s1  }
0xa: {  	[smem:$0x3FAD] =	sst s2  }
0xb: {  	[smem:$0x3FAE] =	sst s3  }
0xc: {  	[smem:$0x3FAF] =	sst s4  }
0xd: {  	[smem:$0x3FB0] =	sst s5  }
0xe: {  	[smem:$0x3FB1] =	sst s6  }
0xf: {  	[smem:$0x3FB2] =	sst s7  }
0x10: {  	[smem:$0x3FB3] =	sst s8  }
0x11: {  	[smem:$0x3FB4] =	sst s9;
	s0 =	simm.s32 @!p0 $0x0  }
0x12: {  	s1 =	sld [smem:$0x3F9A];
	s0 =	simm.s32 @p0 $0x1  }
0x13: {  	[smem:$0x3FB5] =	sst s0;
	s0 =	simm.s32 @!p1 $0x0  }
0x14: {  	s2 =	sld [smem:$0x3F99];
	s0 =	simm.s32 @p1 $0x1  }
0x15: {  	[smem:$0x3FB6] =	sst s0;
	s0 =	simm.s32 @!p2 $0x0  }
0x16: {  	s3 =	sld [smem:$0x3FDB];
	s0 =	simm.s32 @p2 $0x1  }
0x17: {  	s4 =	simm.s32 $0x1BF5;
	[smem:$0x3FB8] =	sst s0  }
0x18: {  	s0 =	sld [smem:$0x3F9B];
	_ =	swait.ge [sflag:s4], $0x0  }
0x19: {  	s7 =	sld [smem:$0x3F9C]  }
0x1a: {  	s8 =	sadd.s32 $0xFFFFE003, lr  }
0x1b: {  	s9 =	sadd.s32 $0xFFFFFEF7, lr;
	s5 =	simm.s32 $0xFFFFFFFF;
	p2 =	slt.u32 s8, $0xFFFFF086  }
0x1c: {  	p1 =	slt.u32 s9, $0xF7A;
	s5 =	simm.s32 @!p2 $0x0  }
0x1d: {  	s5 =	simm.s32 @p1 $0x1;
	p0 =	seq.s32 s7, s2  }
0x1e: {  	s7 =	smul.u32 @!p0 $0xF7A, s2;
	p2 =	seq.s32 @!p0 s5, $0x0  }
0x1f: {  	s9 =	smul.u32 $0xF7A, s1;
	s8 =	simm.s32 @!p0 $0x1BF5;
	p2 =	por !p2, p0  }
0x20: {  	[sflag:s8] =	ssyncset.s32 @!p0 $0xFFFFF086;
	s6 =	sadd.s32 @!p0 s3, s7;
	s7 =	simm.s32 @!p0 $0x108  }
0x21: {  	s3 =	sadd.s32 s3, s9;
	s6 =	sadd.s32 @!p0 $0x88, s6;
	s7 =	simm.s32 @p2 $0x1082  }
0x22: {  	[simem:s7], [sflag:s8] =	dma.local @!p0 [hbm:s6], $0xF7A  }
0x23: {  	s9 =	sor.u32 $0xD0000000, s2;
	s6 =	simm.s32 $0x108;
	_ =	swait.ge @!p0 [sflag:s8], $0x0  }
0x24: {  	s3 =	sadd.s32 $0x88, s3;
	s6 =	simm.s32 @!p1 $0x1082;
	[sflag:s4] =	ssyncset.s32 $0xFFFFF086  }
0x25: {  	[simem:s6], [sflag:s4] =	dma.local [hbm:s3], $0xF7A  }
0x26: {  	[smem:$0x3F9C] =	sst s1;
	(tag) =	ssettag s2;
	_ =	strace s9  }
0x27: {  	s1 =	sld [smem:$0x3FAC]  }
0x28: {  	s2 =	sld [smem:$0x3FAD]  }
0x29: {  	s4 =	sld [smem:$0x3FAF]  }
0x2a: {  	p0 =	seq.s32 s5, $0x0;
	s5 =	sld [smem:$0x3FB0]  }
0x2b: {  	s6 =	sld [smem:$0x3FB1]  }
0x2c: {  	s7 =	sld [smem:$0x3FB2]  }
0x2d: {  	s3 =	simm.s32 $0x108;
	s8 =	sld [smem:$0x3FB3]  }
0x2e: {  	s3 =	simm.s32 @!p0 $0x1082;
	s9 =	sld [smem:$0x3FB4]  }
0x2f: {  	lr =	sadd.s32 s0, s3;
	s0 =	sld [smem:$0x3FAB]  }
0x30: {  	s3 =	sld [smem:$0x3FAE]  }
0x31: {  	[smem:$0x3FB7] =	sst s10  }
0x32: {  	s10 =	sld [smem:$0x3FB5];
	_ =	sdelay $0x3  }
0x33: {  	p0 =	seq.s32 s10, $0x1;
	s10 =	sld [smem:$0x3FB7];
	_ =	sdelay $0x3  }
0x34: {  	[smem:$0x3FB7] =	sst s10  }
0x35: {  	s10 =	sld [smem:$0x3FB6];
	_ =	sdelay $0x3  }
0x36: {  	p1 =	seq.s32 s10, $0x1;
	s10 =	sld [smem:$0x3FB7];
	_ =	sdelay $0x3  }
0x37: {  	[smem:$0x3FB7] =	sst s10  }
0x38: {  	s10 =	sld [smem:$0x3FB8]  }
0x39: {  	_ = 	snop;
	(pc) =	sbr.ind lr, $3  }
0x3a: {  	_ = 	snop  }
0x3b: {  	_ = 	snop  }
0x3c: {  	p2 =	seq.s32 s10, $0x1;
	s10 =	sld [smem:$0x3FB7]  }
0x3d: {  	_ =	shalt  }
0x3e: {  	_ =	shalt  }
0x3f: {  	_ =	shalt  }
0x40: {  	_ =	shalt  }
0x41: {  	_ =	shalt  }
0x42: {  	_ =	shalt  }
0x43: {  	_ =	shalt  }
0x44: {  	_ =	shalt  }
0x45: {  	_ =	shalt  }
0x46: {  	_ =	shalt  }
0x47: {  	_ =	shalt  }
0x48: {  	_ =	shalt  }
0x49: {  	_ =	shalt  }
0x4a: {  	_ =	shalt  }
0x4b: {  	_ =	shalt  }
0x4c: {  	_ =	shalt  }
0x4d: {  	_ =	shalt  }
0x4e: {  	_ =	shalt  }
0x4f: {  	_ =	shalt  }
0x50: {  	_ =	shalt  }
0x51: {  	_ =	shalt  }
0x52: {  	_ =	shalt  }
0x53: {  	_ =	shalt  }
0x54: {  	_ =	shalt  }
0x55: {  	_ =	shalt  }
0x56: {  	_ =	shalt  }
0x57: {  	_ =	shalt  }
0x58: {  	_ =	shalt  }
0x59: {  	_ =	shalt  }
0x5a: {  	_ =	shalt  }
0x5b: {  	_ =	shalt  }
0x5c: {  	_ =	shalt  }
0x5d: {  	_ =	shalt  }
0x5e: {  	_ =	shalt  }
0x5f: {  	_ =	shalt  }
0x60: {  	_ =	shalt  }
0x61: {  	_ =	shalt  }
0x62: {  	_ =	shalt  }
0x63: {  	_ =	shalt  }
0x64: {  	_ =	shalt  }
0x65: {  	_ =	shalt  }
0x66: {  	_ =	shalt  }
0x67: {  	_ =	shalt  }
0x68: {  	_ =	shalt  }
0x69: {  	_ =	shalt  }
0x6a: {  	_ =	shalt  }
0x6b: {  	_ =	shalt  }
0x6c: {  	_ =	shalt  }
0x6d: {  	_ =	shalt  }
0x6e: {  	_ =	shalt  }
0x6f: {  	_ =	shalt  }
0x70: {  	_ =	shalt  }
0x71: {  	_ =	shalt  }
0x72: {  	_ =	shalt  }
0x73: {  	_ =	shalt  }
0x74: {  	_ =	shalt  }
0x75: {  	_ =	shalt  }
0x76: {  	_ =	shalt  }
0x77: {  	_ =	shalt  }
0x78: {  	_ =	shalt  }
0x79: {  	_ =	shalt  }
0x7a: {  	_ =	shalt  }
0x7b: {  	_ =	shalt  }
0x7c: {  	_ =	shalt  }
0x7d: {  	_ =	shalt  }
0x7e: {  	_ =	shalt  }
0x7f: {  	_ =	shalt  }
0x80: {  	_ =	shalt  }
0x81: {  	_ =	shalt  }
0x82: {  	_ =	shalt  }
0x83: {  	_ =	shalt  }
0x84: {  	_ =	shalt  }
0x85: {  	_ =	shalt  }
0x86: {  	_ =	shalt  }
0x87: {  	_ =	shalt  }
.Lfunc_end0:
.L_simem_size_0:
called_computation_lowered:
.L_overlay_start_0:
0x88: {  	s2 =	sld [smem:$0x3FD9]  }
0x89: {  	s3 =	sld [smem:$0x3FFE];
	_ =	sdelay $0x1  }
0x8a: {  	s1 =	srdreg.scid  }
0x8b: {  	s0 =	sand.u32 $0x1, s1  }
0x8c: {  	s16 =	sshll.u32 s0, $0xA;
	s2 =	sadd.s32 s3, s2  }
0x8d: {  	s2 =	sadd.s32 s2, s16  }
0x8e: {  	[smem:$0x3FC3] =	sst s2  }
0x8f: {  	_ = 	snop  }
0x90: {  	(tm) =	ssettm $0x1  }
0x91: {  	s17 =	sld [smem:$0x3FFB];
	_ =	sdelay $0x3  }
0x92: {  	_ =	strace s17  }
0x93: {  	s2 =	sld [smem:$0x3FFC];
	_ =	sdelay $0x3  }
0x94: {  	_ =	strace s2  }
0x95: {  	s2 =	sld [smem:$0x3FFD];
	_ =	sdelay $0x3  }
0x96: {  	_ =	strace s2  }
0x97: {  	_ =	strace $0x8FFFFFFF  }
0x98: {  	s18 =	sld [smem:$0x3FDB];
	_ =	sdelay $0x1  }
0x99: {  	s19 =	simm.s32 $_scs_section_size  }
0x9a: {  	s4 =	simm.s32 $_size__tile_overlayer_lowered;
	s5 =	simm.s32 $_tile_overlayer_lowered  }
0x9b: {  	s22 =	simm.s32 $0x1BFF;
	s21 =	sshll.u32 s5, $0x1;
	s2 =	sadd.s32 s19, s18  }
0x9c: {  	s6 =	simm.s32 $0x0;
	s20 =	sshll.u32 s4, $0x1;
	s4 =	sadd.s32 s21, s2  }
0x9d: {  	[timem:s6], [sflag:s22] =	dma.local [hbm:s4], s20  }
0x9e: {  	_ =	swait.ge [sflag:s22], s20  }
0x9f: {  	s3 =	ssub.s32 $0x0, s20;
	[sflag:s22] =	ssyncset.done $0x0  }
0xa0: {  	[sflag:s22] =	ssyncadd.s32 s3;
	_ =	sdelay $0x1  }
0xa1: {  	s23 =	simm.s32 $0x1B8B  }
0xa2: {  	_ =	swait.ge [sflag:s23], $0x1  }
0xa3: {  	[sflag:s23] =	ssyncset.done $0x0  }
0xa4: {  	s25 =	simm.s32 $0x1B8E;
	s24 =	sld [smem:$0x3FFE];
	[sflag:s23] =	ssyncadd.s32 $0xFFFFFFFF  }
0xa5: {  	s26 =	simm.s32 $execute0_lowered;
	[smem:$0x3FD2] =	sst s25  }
0xa6: {  	s4 =	sshll.u32 s26, $0x1;
	_ =	strace $0x80000046;
	[dreg:$0x1] =	wrdreg $0xFFFFFFFF  }
0xa7: {  	s28 =	simm.s32 $_size_execute0_lowered;
	s2 =	sadd.s32 s2, s4;
	[dreg:$0x0] =	wrdreg $0x0  }
0xa8: {  	s4 =	sshll.u32 s28, $0x1;
	[dreg:$0x2] =	wrdreg s2  }
0xa9: {  	[dreg:$0x3] =	wrdreg s4  }
0xaa: {  	[dreg:$0x4] =	wrdreg $0xC0  }
0xab: {  	_ =	task [dreg:s6], $0x5FFFF  }
0xac: {  	[dreg:$0x1] =	wrdreg $0xFFFFFFFF  }
0xad: {  	[dreg:$0x0] =	wrdreg $0x60  }
0xae: {  	[dreg:$0x2] =	wrdreg s24  }
0xaf: {  	[dreg:$0x3] =	wrdreg $0x1E8000  }
0xb0: {  	[dreg:$0x4] =	wrdreg $0x1FD000  }
0xb1: {  	[dreg:$0x5] =	wrdreg $0x9  }
0xb2: {  	_ =	task.clear_ibuf [dreg:s6], $0x6FFFF;
	_ =	strace $0x90000046  }
0xb3: {  	s29 =	simm.s32 $0x9;
	_ =	strace $0x80000048  }
0xb4: {  	_ =	swait.ge [sflag:s29], $0x1  }
0xb5: {  	[sflag:s29] =	ssyncadd.s32 $0xFFFFFFFF  }
0xb6: {  	_ =	strace $0x90000048  }
0xb7: {  	_ =	sfence  }
0xb8: {  	s30 =	sld [smem:$0x0];
	_ =	sdelay $0x2  }
0xb9: {  	s31 =	sshll.u32 s1, $0xD;
	s1 =	sshrl.u32 s1, $0x2  }
0xba: {  	s3 =	sand.u32 $0x4000, s31;
	s1 =	sadd.s32 s1, s30  }
0xbb: {  	s0 =	sor.u32 s3, s0;
	s1 =	sshll.u32 s1, $0x11  }
0xbc: {  	s0 =	sor.u32 s1, s0  }
0xbd: {  	s0 =	sadd.s32 $0x8F2B, s0  }
0xbe: {  	[sflag:s0] =	ssyncadd.remote.s32 $0x1  }
0xbf: {  	_ =	sfence.sel $0xFFFF  }
0xc0: {  	[dreg:$0x0] =	wrdreg $0xFFFFFFFF;
	(pc) =	sbr.abs _section_cstart, $3  }
0xc1: {  	[dreg:$0x1] =	wrdreg $0xFFFFFFFF  }
0xc2: {  	_ =	task.clear_ibuf [dreg:s6], $0x2FFFF;
	_ =	strace $0x9FFFFFFF  }
0xc3: {  	(tm) =	ssettm $0x7FFFFFFF  }
tec
execute0_lowered:
.L_overlay_start_1:
0x0: {  	(tag) =	ssettag $0x1  }
0x1: {  	s0 =	rddreg [dreg:$0x0]  }
0x2: {  	s1 =	srdreg.scid;
	s10 =	rddreg [dreg:$0x1]  }
0x3: {  	s11 =	rddreg [dreg:$0x2];
	s2 =	stileid.u32;
	s3 =	simm.s32 $0x0  }
0x4: {  	s28 =	simm.s32 $0x1;
	s31 =	simm.s32 $0x2;
	s1 =	sand.u32 $0x1, s1  }
0x5: {  	[smem:$0x7FF] =	sst s3;
	s5 =	sadd.s32 $0xEE00, s0;
	s20 =	sadd.s32 $0x7000, s10  }
0x6: {  	s21 =	sadd.s32 $0xE000, s10;
	_ =	strace $0x80000047;
	[dreg:$0xc] =	wrdreg s20  }
0x7: {  	s9 =	smul.u32 $0x380, s2;
	s24 =	sadd.s32 $0x3800, s10;
	[dreg:$0xd] =	wrdreg s21  }
0x8: {  	s25 =	sadd.s32 $0xA800, s10;
	s26 =	sshll.u32 s2, $0x4;
	[dreg:$0x11] =	wrdreg s24  }
0x9: {  	s29 =	sadd.s32 $0x11800, s10;
	p0 =	sne.s32 s2, $0x0;
	[dreg:$0x12] =	wrdreg s25  }
0xa: {  	s4 =	sshll.u32 s1, $0x4;
	[dreg:$0x13] =	wrdreg s29;
	s15 =	sadd.s32 s5, s9  }
0xb: {  	s7 =	ssub.s32 $0x2, s1;
	s17 =	sadd.s32 s9, s10;
	[dreg:$0x7] =	wrdreg s15  }
0xc: {  	s4 =	sor.u32 s2, s4;
	s18 =	sadd.s32 $0x7000, s17;
	[dreg:$0x8] =	wrdreg s17  }
0xd: {  	s8 =	sshrl.u32 s7, $0x1;
	s19 =	sadd.s32 $0xE000, s17;
	[dreg:$0xa] =	wrdreg s18  }
0xe: {  	s4 =	smul.u32 $0x380, s4;
	s22 =	sadd.s32 $0xA800, s17;
	[dreg:$0xb] =	wrdreg s19  }
0xf: {  	s8 =	ssub.s32 s7, s8;
	s23 =	sadd.s32 $0x11800, s17;
	[dreg:$0xf] =	wrdreg s22  }
0x10: {  	s16 =	sadd.s32 $0x3800, s9;
	[dreg:$0x10] =	wrdreg s23;
	s30 =	smax.u32 s8, $0x1  }
0x11: {  	s6 =	sadd.s32 s4, s0;
	s4 =	sadd.s32 s5, s4;
	[dreg:$0x16] =	wrdreg s30  }
0x12: {  	s20 =	simm.s32 $0x3F00;
	s5 =	sadd.s32 s5, s16;
	[dreg:$0x6] =	wrdreg s4  }
0x13: {  	s25 =	simm.s32 $0x3;
	s6 =	sadd.s32 $0xE00, s6;
	[dreg:$0x9] =	wrdreg s5  }
0x14: {  	s0 =	sadd.s32 s1, s0;
	s4 =	sadd.s32 s16, s10;
	[dreg:$0x5] =	wrdreg s6  }
0x15: {  	s1 =	smul.u32 $0x3800, s1;
	s0 =	sadd.s32 $0x15E00, s0;
	[dreg:$0xe] =	wrdreg s4  }
0x16: {  	s24 =	simm.s32 $0x0;
	s4 =	sadd.s32 s26, s11;
	[dreg:$0x15] =	wrdreg s0  }
0x17: {  	s19 =	simm.s32 $0x3B80;
	s1 =	sadd.s32 s9, s1;
	[dreg:$0x14] =	wrdreg s4  }
0x18: {  	s26 =	simm.s32 $0x4;
	s0 =	simm.s32 $0x4280;
	[dreg:$0x4] =	wrdreg s1  }
.LBB2_1:
0x19: {  	s1 =	rddreg [dreg:$0x5]  }
0x1a: {  	s2 =	simm.s32 $0x1C00;
	s4 =	simm.s32 $0x38000;
	s5 =	simm.s32 $0x1AE80  }
0x1b: {  	[tilespmem:s5], [sflag:$0x1] =	stream.strided.gather [hbm4b:s1+s2], $0x3800, s4, s2, $0x38;
	[tilespmem:$0x1FD10] =	vst v63  }
0x1c: {  	s11 =	rddreg [dreg:$0x6];
	s12 =	simm.s32 $0x19280  }
0x1d: {  	[tilespmem:s12], [sflag:$0x1] =	stream.linear.gather [hbm4b:s11+s3], $0x1C00, $0x38;
	[tilespmem:$0x1FD10] =	vst v63  }
0x1e: {  	s13 =	rddreg [dreg:$0x7]  }
0x1f: {  	[tilespmem:s3], [sflag:$0x4] =	stream.linear.gather [hbm4b:s13+s3], $0x1C00, $0x38;
	[tilespmem:$0x1FD10] =	vst v63  }
0x20: {  	s15 =	sand.u32 $0x40, s3;
	_ =	swait.ge [sflag:s26], $0x1C00  }
0x21: {  	s16 =	sand.u32 $0x1C00, s3;
	s6 =	sor.u32 $0x30, s15;
	[sflag:s26] =	ssyncset.done $0x0  }
0x22: {  	s17 =	sor.u32 s6, s16;
	s14 =	rddreg [dreg:$0x9];
	[sflag:s26] =	ssyncadd.s32 $0xFFFFE400  }
0x23: {  	[tilespmem:s2], [sflag:$0x4] =	stream.linear.gather [hbm4b:s14+s3], $0x1C00, $0x38;
	[tilespmem:$0x1FD10] =	vst v63  }
0x24: {  	s10 =	sor.u32 $0x10, s15;
	v0 =	vld [tilespmem:s17+$0x0]  }
0x25: {  	s18 =	sor.u32 s10, s16;
	v1 =	vld [tilespmem:s17+$0x180]  }
0x26: {  	s11 =	sor.u32 $0x20, s15;
	v2 =	vld [tilespmem:s18+$0x0]  }
0x27: {  	s8 =	sor.u32 s11, s16;
	v3 =	vld [tilespmem:s18+$0x180]  }
0x28: {  	s2 =	simm.s32 $0x40;
	v4 =	vld [tilespmem:s8+$0x0]  }
0x29: {  	s21 =	simm.s32 $0x200;
	s1 =	sor.u32 s15, s16;
	s12 =	sand.u32 $0x40, s2;
	v5 =	vld [tilespmem:s8+$0x180]  }
0x2a: {  	s13 =	sand.u32 $0x1C00, s21;
	v6 =	vld [tilespmem:s1+$0x0];
	s5 =	sor.u32 $0x30, s12  }
0x2b: {  	s22 =	sand.u32 $0x380, s3;
	v7 =	vld [tilespmem:s1+$0x180];
	s23 =	sor.u32 s5, s13  }
0x2c: {  	p1 =	por $0x0, $0x0;
	s15 =	sor.u32 $0x3800, s22;
	s4 =	sor.u32 $0x10, s12;
	v1 =	vsub.f32 v0, v1;
	v0 =	vld [tilespmem:s23+$0x0]  }
0x2d: {  	s6 =	sor.u32 s6, s15;
	s29 =	sor.u32 s10, s15;
	s16 =	sor.u32 s4, s13;
	v2 =	vsub.f32 v2, v3;
	v3 =	vld [tilespmem:s23+$0x180]  }
0x2e: {  	s30 =	sor.u32 s11, s15;
	s11 =	simm.s32 $0x400;
	s9 =	sor.u32 $0x20, s12;
	v8 =	vsub.f32 v4, v5;
	v4 =	vld [tilespmem:s16+$0x180];
	[tilespmem:s6+$0x0] =	vst v1  }
0x2f: {  	s1 =	simm.s32 $0x3BB0;
	s8 =	simm.s32 $0x4;
	s14 =	sor.u32 s9, s13;
	v1 =	vld [tilespmem:s16+$0x0];
	[tilespmem:s29+$0x0] =	vst v2  }
0x30: {  	s10 =	sor.u32 s12, s13;
	s12 =	simm.s32 $0x80;
	v5 =	vsub.f32 v6, v7;
	v2 =	vld [tilespmem:s14+$0x0];
	[tilespmem:s30+$0x0] =	vst v8;
	s6 =	simm.s32 $0x3800  }
.LBB2_2:
0x31: {  	s13 =	sand.u32 $0x40, s12;
	s15 =	sand.u32 $0x1C00, s11;
	s16 =	sand.u32 $0x380, s2  }
0x32: {  	v6 =	vld [tilespmem:s14+$0x180];
	s17 =	smov.u32 s9;
	s2 =	smov.u32 s12;
	s8 =	sadd.s32 $0x4, s8  }
0x33: {  	s18 =	sor.u32 $0x30, s13;
	v7 =	vld [tilespmem:s10+$0x0];
	s16 =	sor.u32 $0x3800, s16;
	v3 =	vsub.f32 v0, v3;
	[tilespmem:s6+$0x0] =	vst v5;
	p2 =	slt.u32 s8, $0x34  }
0x34: {  	s29 =	sor.u32 $0x10, s13;
	s22 =	sor.u32 s18, s15;
	v5 =	vld [tilespmem:s10+$0x180];
	s5 =	sor.u32 s5, s16  }
.Ltmp0:
0x35: {  	s9 =	sor.u32 $0x20, s13;
	s10 =	sor.u32 s13, s15;
	v0 =	vld [tilespmem:s22+$0x0];
	v4 =	vsub.f32 v1, v4;
	[tilespmem:s5+$0x0] =	vst v3;
	(pc) =	sbr.rel @p2 .LBB2_2-.Ltmp0, $4  }
0x36: {  	s13 =	sor.u32 s29, s15;
	s14 =	sor.u32 s9, s15;
	s4 =	sor.u32 s4, s16;
	v3 =	vld [tilespmem:s22+$0x180]  }
0x37: {  	s15 =	sor.u32 s17, s16;
	s5 =	smov.u32 s18;
	v1 =	vld [tilespmem:s13+$0x0];
	[tilespmem:s4+$0x0] =	vst v4;
	v6 =	vsub.f32 v2, v6;
	s4 =	smov.u32 s29  }
0x38: {  	v4 =	vld [tilespmem:s13+$0x180];
	s13 =	simm.s32 $0x0  }
0x39: {  	s11 =	sadd.s32 $0x200, s11;
	s12 =	sadd.s32 $0x40, s12;
	s6 =	sadd.s32 $0x40, s6;
	v2 =	vld [tilespmem:s14+$0x0];
	v5 =	vsub.f32 v7, v5;
	[tilespmem:s15+$0x0] =	vst v6  }
0x3a: {  	v6 =	vld [tilespmem:s14+$0x180]  }
0x3b: {  	v7 =	vld [tilespmem:s10+$0x0]  }
0x3c: {  	v8 =	vld [tilespmem:s10+$0x180]  }
0x3d: {  	s2 =	sand.u32 $0x380, s2  }
0x3e: {  	s2 =	sor.u32 $0x3800, s2;
	v0 =	vsub.f32 v0, v3  }
0x3f: {  	s8 =	simm.s32 $0x1;
	[tilespmem:s6+$0x0] =	vst v5;
	s5 =	sor.u32 s5, s2;
	v1 =	vsub.f32 v1, v4  }
0x40: {  	s8 =	simm.s32 @!p1 $0x0;
	s4 =	sor.u32 s4, s2;
	[tilespmem:s5+$0x0] =	vst v0;
	v0 =	vsub.f32 v2, v6  }
0x41: {  	s14 =	sadd.s32 $0x40, s6;
	s2 =	sor.u32 s9, s2;
	s15 =	sshll.u32 s8, $0x6;
	[tilespmem:s4+$0x0] =	vst v1;
	v1 =	vsub.f32 v7, v8  }
0x42: {  	s16 =	sand.u32 $0x40, s13;
	s17 =	sand.u32 $0x1C00, s13;
	s6 =	sadd.s32 $0x0, s15;
	[tilespmem:s2+$0x0] =	vst v0  }
0x43: {  	s5 =	sor.u32 s17, s16;
	s8 =	sadd.s32 $0x30, s6;
	[tilespmem:s14+$0x0] =	vst v1  }
0x44: {  	s9 =	sadd.s32 $0x10, s6;
	s18 =	sor.u32 $0x200, s8;
	v2 =	vld [tilespmem:s5+$0xB0]  }
0x45: {  	s10 =	sadd.s32 $0x20, s6;
	s21 =	sor.u32 $0x200, s9;
	v4 =	vld [tilespmem:s18+$0x0]  }
0x46: {  	s22 =	sor.u32 $0x200, s10;
	v7 =	vld [tilespmem:s21+$0x0]  }
0x47: {  	p1 =	por !p1, !p1;
	s23 =	sor.u32 $0x200, s6;
	s2 =	simm.s32 $0x1;
	v1 =	vld [tilespmem:s22+$0x0]  }
0x48: {  	s2 =	simm.s32 @!p1 $0x0;
	v6 =	vld [tilespmem:s23+$0x0]  }
0x49: {  	s12 =	simm.s32 $0x200;
	v8 =	vld [tilespmem:s5+$0x80];
	s22 =	simm.s32 $0x40;
	s11 =	sshll.u32 s2, $0x6  }
0x4a: {  	s18 =	sand.u32 $0x1C00, s12;
	v9 =	vld [tilespmem:s5+$0x90];
	s17 =	sand.u32 $0x40, s22;
	s7 =	sadd.s32 $0x200, s11  }
0x4b: {  	v3 =	vld [tilespmem:s5+$0xA0];
	s29 =	sor.u32 s18, s17;
	s21 =	sadd.s32 $0x30, s7  }
0x4c: {  	s30 =	simm.s32 $0x4;
	s15 =	sadd.s32 $0x10, s7;
	v0 =	vld [tilespmem:s29+$0xB0];
	s2 =	sor.u32 $0x200, s21  }
0x4d: {  	p2 =	por !p1, !p1;
	s23 =	sadd.s32 $0x20, s7;
	s15 =	sor.u32 $0x200, s15;
	v4 =	vsub.f32 v2, v4;
	v5 =	vld [tilespmem:s2+$0x0]  }
0x4e: {  	s4 =	sand.u32 $0x3C0, s13;
	s13 =	sand.u32 $0x3C0, s22;
	s16 =	sor.u32 $0x200, s23;
	v2 =	vld [tilespmem:s15+$0x0]  }
0x4f: {  	s14 =	sor.u32 $0x200, s7;
	s2 =	simm.s32 $0x3F30;
	v6 =	vsub.f32 v8, v6;
	v7 =	vsub.f32 v9, v7;
	s15 =	smov.u32 s4;
	[tilespmem:s1+$0x0] =	vst v4;
	v4 =	vld [tilespmem:s16+$0x0]  }
.LBB2_4:
0x50: {  	s16 =	simm.s32 $0x1;
	s30 =	sadd.s32 $0x4, s30  }
0x51: {  	v8 =	vld [tilespmem:s14+$0x0];
	s12 =	sadd.s32 $0x200, s12;
	[tilespmem:s15+$0x3B80] =	vst v6;
	v1 =	vsub.f32 v3, v1;
	s22 =	sadd.s32 $0x40, s22;
	s16 =	simm.s32 @!p2 $0x0  }
0x52: {  	p3 =	slt.u32 s30, $0x34;
	s15 =	sand.u32 $0x40, s22;
	s14 =	sshll.u32 s16, $0x6;
	v6 =	vld [tilespmem:s29+$0x80];
	[tilespmem:s1+$0xFFFFFFE0] =	vst v7  }
0x53: {  	s16 =	sand.u32 $0x1C00, s12;
	v5 =	vsub.f32 v0, v5;
	s14 =	sadd.s32 s14, s12;
	v7 =	vld [tilespmem:s29+$0x90];
	[tilespmem:s1+$0xFFFFFFF0] =	vst v1;
	s1 =	sadd.s32 $0x40, s1  }
.Ltmp1:
0x54: {  	s17 =	sadd.s32 $0x30, s14;
	v3 =	vld [tilespmem:s29+$0xA0];
	s29 =	sor.u32 s16, s15;
	(pc) =	sbr.rel @p3 .LBB2_4-.Ltmp1, $4  }
0x55: {  	v9 =	vmov v2;
	s15 =	sadd.s32 $0x10, s14;
	s16 =	sadd.s32 $0x20, s14;
	v1 =	vmov v4;
	v0 =	vld [tilespmem:s29+$0xB0];
	s17 =	sor.u32 $0x200, s17;
	[tilespmem:s1+$0x0] =	vst v5  }
0x56: {  	s14 =	sor.u32 $0x200, s14;
	s15 =	sor.u32 $0x200, s15;
	s16 =	sor.u32 $0x200, s16;
	v5 =	vld [tilespmem:s17+$0x0]  }
0x57: {  	v2 =	vld [tilespmem:s15+$0x0];
	v6 =	vsub.f32 v6, v8;
	s15 =	smov.u32 s13;
	s13 =	sand.u32 $0x3C0, s22  }
0x58: {  	p2 =	por !p2, !p2;
	v4 =	vld [tilespmem:s16+$0x0];
	v7 =	vsub.f32 v7, v9  }
0x59: {  	v8 =	vld [tilespmem:s14+$0x0]  }
0x5a: {  	v9 =	vld [tilespmem:s29+$0x80]  }
0x5b: {  	v10 =	vld [tilespmem:s29+$0x90]  }
0x5c: {  	v11 =	vld [tilespmem:s29+$0xA0]  }
0x5d: {  	[tilespmem:s15+$0x3B80] =	vst v6;
	v1 =	vsub.f32 v3, v1  }
0x5e: {  	[tilespmem:s1+$0xFFFFFFE0] =	vst v7;
	v0 =	vsub.f32 v0, v5  }
0x5f: {  	s15 =	sadd.s32 $0x40, s1;
	[tilespmem:s1+$0xFFFFFFF0] =	vst v1;
	v1 =	vsub.f32 v9, v8  }
0x60: {  	[tilespmem:s15+$0x0] =	vst v0;
	v0 =	vsub.f32 v10, v2  }
0x61: {  	[tilespmem:s13+$0x3B80] =	vst v1;
	v1 =	vsub.f32 v11, v4  }
0x62: {  	[tilespmem:s15+$0xFFFFFFE0] =	vst v0  }
0x63: {  	[tilespmem:s15+$0xFFFFFFF0] =	vst v1  }
0x64: {  	s16 =	sor.u32 $0x280, s8;
	v1 =	vld [tilespmem:s5+$0x130]  }
0x65: {  	s17 =	sor.u32 $0x280, s9;
	v4 =	vld [tilespmem:s16+$0x0]  }
0x66: {  	s18 =	sor.u32 $0x280, s10;
	v7 =	vld [tilespmem:s17+$0x0]  }
0x67: {  	s6 =	sor.u32 $0x280, s6;
	v2 =	vld [tilespmem:s18+$0x0]  }
0x68: {  	v6 =	vld [tilespmem:s6+$0x0]  }
0x69: {  	s21 =	sadd.s32 $0x200, s11;
	v8 =	vld [tilespmem:s5+$0x100]  }
0x6a: {  	s29 =	sadd.s32 $0x30, s21;
	s1 =	simm.s32 $0x200;
	s6 =	simm.s32 $0x40;
	v63 =	vld [tilespmem:s5+$0x110]  }
0x6b: {  	s9 =	sor.u32 $0x280, s29;
	s23 =	sand.u32 $0x1C00, s1;
	v3 =	vld [tilespmem:s5+$0x120];
	s22 =	sand.u32 $0x40, s6  }
0x6c: {  	s30 =	sadd.s32 $0x10, s21;
	v5 =	vld [tilespmem:s9+$0x0];
	s8 =	sor.u32 s23, s22  }
0x6d: {  	s11 =	sadd.s32 $0x20, s21;
	s5 =	sor.u32 $0x280, s30;
	v0 =	vld [tilespmem:s8+$0x130];
	v4 =	vsub.f32 v1, v4  }
0x6e: {  	p1 =	por !p1, !p1;
	s11 =	sor.u32 $0x280, s11;
	v1 =	vld [tilespmem:s5+$0x0]  }
0x6f: {  	s10 =	sor.u32 $0x280, s21;
	s9 =	simm.s32 $0x4;
	s5 =	sand.u32 $0x3C0, s6;
	v6 =	vsub.f32 v8, v6;
	v7 =	vsub.f32 v63, v7;
	[tilespmem:s2+$0x0] =	vst v4;
	v4 =	vld [tilespmem:s11+$0x0]  }
.LBB2_6:
0x70: {  	s11 =	simm.s32 $0x1;
	s9 =	sadd.s32 $0x4, s9  }
0x71: {  	v8 =	vld [tilespmem:s10+$0x0];
	s1 =	sadd.s32 $0x200, s1;
	[tilespmem:s4+$0x3F00] =	vst v6;
	v2 =	vsub.f32 v3, v2;
	s6 =	sadd.s32 $0x40, s6;
	s11 =	simm.s32 @!p1 $0x0  }
0x72: {  	p2 =	slt.u32 s9, $0x34;
	s10 =	sand.u32 $0x40, s6;
	s4 =	sshll.u32 s11, $0x6;
	v6 =	vld [tilespmem:s8+$0x100];
	[tilespmem:s2+$0xFFFFFFE0] =	vst v7  }
0x73: {  	s11 =	sand.u32 $0x1C00, s1;
	v5 =	vsub.f32 v0, v5;
	s4 =	sadd.s32 s4, s1;
	v7 =	vld [tilespmem:s8+$0x110];
	[tilespmem:s2+$0xFFFFFFF0] =	vst v2;
	s2 =	sadd.s32 $0x40, s2  }
.Ltmp2:
0x74: {  	s12 =	sadd.s32 $0x30, s4;
	v3 =	vld [tilespmem:s8+$0x120];
	s8 =	sor.u32 s11, s10;
	(pc) =	sbr.rel @p2 .LBB2_6-.Ltmp2, $4  }
0x75: {  	v9 =	vmov v1;
	s11 =	sadd.s32 $0x10, s4;
	s13 =	sadd.s32 $0x20, s4;
	v2 =	vmov v4;
	v0 =	vld [tilespmem:s8+$0x130];
	s12 =	sor.u32 $0x280, s12;
	[tilespmem:s2+$0x0] =	vst v5  }
0x76: {  	s10 =	sor.u32 $0x280, s4;
	s4 =	sor.u32 $0x280, s11;
	s11 =	sor.u32 $0x280, s13;
	v5 =	vld [tilespmem:s12+$0x0]  }
0x77: {  	v1 =	vld [tilespmem:s4+$0x0];
	v6 =	vsub.f32 v6, v8;
	s4 =	smov.u32 s5;
	s5 =	sand.u32 $0x3C0, s6  }
0x78: {  	p1 =	por !p1, !p1;
	v4 =	vld [tilespmem:s11+$0x0];
	v7 =	vsub.f32 v7, v9  }
0x79: {  	v8 =	vld [tilespmem:s10+$0x0]  }
0x7a: {  	v9 =	vld [tilespmem:s8+$0x100]  }
0x7b: {  	v10 =	vld [tilespmem:s8+$0x110]  }
0x7c: {  	v11 =	vld [tilespmem:s8+$0x120]  }
0x7d: {  	[tilespmem:s4+$0x3F00] =	vst v6;
	v2 =	vsub.f32 v3, v2  }
0x7e: {  	[tilespmem:s2+$0xFFFFFFE0] =	vst v7;
	v0 =	vsub.f32 v0, v5  }
0x7f: {  	s1 =	sadd.s32 $0x40, s2;
	[tilespmem:s2+$0xFFFFFFF0] =	vst v2;
	v2 =	vsub.f32 v9, v8  }
0x80: {  	[tilespmem:s1+$0x0] =	vst v0;
	v0 =	vsub.f32 v10, v1  }
0x81: {  	v1 =	vsub.f32 v11, v4;
	[tilespmem:s5+$0x3F00] =	vst v2  }
0x82: {  	[tilespmem:s1+$0xFFFFFFE0] =	vst v0  }
0x83: {  	[tilespmem:s1+$0xFFFFFFF0] =	vst v1  }
0x84: {  	s7 =	simm.s32 $0x3800;
	s1 =	rddreg [dreg:$0x8]  }
0x85: {  	[spmem:s1] =	stream.linear.scatter [tilespmem:s7], [sflag:$0x2], $0x380, $0x38;
	[tilespmem:$0x1FD10] =	vst v63  }
0x86: {  	s10 =	rddreg [dreg:$0xa]  }
0x87: {  	[spmem:s10] =	stream.linear.scatter [tilespmem:s19], [sflag:$0x2], $0x380, $0x38;
	[tilespmem:$0x1FD10] =	vst v63  }
0x88: {  	s11 =	rddreg [dreg:$0xb]  }
0x89: {  	[spmem:s11] =	stream.linear.scatter [tilespmem:s20], [sflag:$0x2], $0x380, $0x38;
	[tilespmem:$0x1FD10] =	vst v63  }
0x8a: {  	_ =	swait.ge [sflag:s31], $0x380  }
0x8b: {  	[sflag:s31] =	ssyncset.done $0x0  }
0x8c: {  	[sflag:s31] =	ssyncadd.s32 $0xFFFFFC80  }
0x8d: {  	_ =	swait.ge [sflag:s31], $0x380  }
0x8e: {  	[sflag:s31] =	ssyncset.done $0x0  }
0x8f: {  	[sflag:s31] =	ssyncadd.s32 $0xFFFFFC80  }
0x90: {  	_ =	swait.ge [sflag:s31], $0x380  }
0x91: {  	[sflag:s31] =	ssyncset.done $0x0  }
0x92: {  	[sflag:s31] =	ssyncadd.s32 $0xFFFFFC80  }
0x93: {  	[bflag:$0x0] =	sbarrier.arrive $0xFFFF  }
0x94: {  	s12 =	rddreg [dreg:$0x1]  }
0x95: {  	[tilespmem:s0], [sflag:$0x3] =	stream.linear.gather [spmem:s12], $0x3800, $0x38;
	[tilespmem:$0x1FD10] =	vst v63  }
0x96: {  	s14 =	simm.s32 $0xB280;
	s13 =	rddreg [dreg:$0xc]  }
0x97: {  	[tilespmem:s14], [sflag:$0x3] =	stream.linear.gather [spmem:s13], $0x3800, $0x38;
	[tilespmem:$0x1FD10] =	vst v63  }
0x98: {  	s16 =	simm.s32 $0x12280;
	s4 =	simm.s32 $0x0;
	s15 =	rddreg [dreg:$0xd]  }
0x99: {  	[tilespmem:s16], [sflag:$0x3] =	stream.linear.gather [spmem:s15], $0x3800, $0x38;
	[tilespmem:$0x1FD10] =	vst v63  }
0x9a: {  	s8 =	sand.u32 $0x40, s4;
	s10 =	sand.u32 $0x1C00, s4;
	_ =	swait.ge [sflag:s26], $0x1C00  }
0x9b: {  	s6 =	sadd.s32 $0x1C00, s10;
	s11 =	sor.u32 $0x30, s8;
	[sflag:s26] =	ssyncset.done $0x0  }
0x9c: {  	s17 =	sor.u32 s11, s6;
	[sflag:s26] =	ssyncadd.s32 $0xFFFFE400  }
0x9d: {  	v0 =	vld [tilespmem:s17+$0x0]  }
0x9e: {  	s18 =	sor.u32 s8, s6;
	v1 =	vld [tilespmem:s17+$0x180]  }
0x9f: {  	s13 =	sor.u32 $0x10, s8;
	v2 =	vld [tilespmem:s18+$0x0]  }
0xa0: {  	s12 =	sor.u32 s13, s6;
	v3 =	vld [tilespmem:s18+$0x180]  }
0xa1: {  	s2 =	simm.s32 $0x40;
	s1 =	simm.s32 $0x200;
	s14 =	sor.u32 $0x20, s8;
	v4 =	vld [tilespmem:s12+$0x0]  }
0xa2: {  	s9 =	sand.u32 $0x1C00, s1;
	s15 =	sor.u32 s14, s6;
	s6 =	sand.u32 $0x40, s2;
	v5 =	vld [tilespmem:s12+$0x180]  }
0xa3: {  	s22 =	sor.u32 $0x30, s6;
	s17 =	sadd.s32 $0x1C00, s9;
	v6 =	vld [tilespmem:s15+$0x0]  }
0xa4: {  	s19 =	sand.u32 $0x380, s4;
	v7 =	vld [tilespmem:s15+$0x180];
	s16 =	sor.u32 s22, s17  }
0xa5: {  	s29 =	simm.s32 $0x4;
	s18 =	sor.u32 $0x3800, s19;
	v1 =	vsub.f32 v0, v1;
	v0 =	vld [tilespmem:s16+$0x0]  }
0xa6: {  	s12 =	sor.u32 $0x20, s6;
	s20 =	sor.u32 s11, s18;
	s21 =	sor.u32 s6, s17;
	v2 =	vsub.f32 v2, v3;
	v3 =	vld [tilespmem:s16+$0x180]  }
0xa7: {  	s15 =	simm.s32 $0x80;
	s11 =	sor.u32 $0x10, s6;
	s30 =	sor.u32 s12, s17;
	v5 =	vsub.f32 v4, v5;
	v4 =	vld [tilespmem:s21+$0x180];
	[tilespmem:s20+$0x0] =	vst v1  }
0xa8: {  	s23 =	sor.u32 s13, s18;
	s13 =	simm.s32 $0x3840;
	s16 =	sor.u32 s11, s17;
	v1 =	vld [tilespmem:s21+$0x0];
	[tilespmem:s7+$0x0] =	vst v2  }
0xa9: {  	s17 =	sor.u32 s14, s18;
	s18 =	sand.u32 $0x380, s2;
	s14 =	simm.s32 $0x400;
	v2 =	vld [tilespmem:s16+$0x0];
	[tilespmem:s23+$0x0] =	vst v5;
	v5 =	vsub.f32 v6, v7  }
.LBB2_8:
0xaa: {  	s5 =	sand.u32 $0x40, s15;
	s19 =	sand.u32 $0x1C00, s14  }
0xab: {  	v6 =	vld [tilespmem:s16+$0x180];
	s18 =	sor.u32 $0x3800, s18;
	s20 =	smov.u32 s12;
	s29 =	sadd.s32 $0x4, s29  }
0xac: {  	s19 =	sadd.s32 $0x1C00, s19;
	s21 =	sor.u32 $0x30, s5;
	v7 =	vld [tilespmem:s30+$0x0];
	v3 =	vsub.f32 v0, v3;
	[tilespmem:s17+$0x0] =	vst v5;
	p2 =	slt.u32 s29, $0x34  }
0xad: {  	s16 =	sor.u32 s22, s18;
	s23 =	sor.u32 $0x10, s5;
	s17 =	sor.u32 s21, s19;
	v5 =	vld [tilespmem:s30+$0x180]  }
.Ltmp3:
0xae: {  	s12 =	sor.u32 $0x20, s5;
	s7 =	sor.u32 s5, s19;
	v0 =	vld [tilespmem:s17+$0x0];
	v4 =	vsub.f32 v1, v4;
	[tilespmem:s16+$0x0] =	vst v3;
	(pc) =	sbr.rel @p2 .LBB2_8-.Ltmp3, $4  }
0xaf: {  	s30 =	sor.u32 s12, s19;
	s16 =	sor.u32 s23, s19;
	s19 =	sor.u32 s11, s18;
	v3 =	vld [tilespmem:s17+$0x180]  }
0xb0: {  	s22 =	smov.u32 s21;
	s11 =	smov.u32 s23;
	s17 =	sor.u32 s20, s18;
	v1 =	vld [tilespmem:s7+$0x0];
	[tilespmem:s13+$0x0] =	vst v4;
	v6 =	vsub.f32 v2, v6  }
0xb1: {  	p1 =	por $0x0, $0x0;
	s5 =	simm.s32 $0x3BB0;
	s13 =	sadd.s32 $0x40, s13;
	v4 =	vld [tilespmem:s7+$0x180]  }
0xb2: {  	s14 =	sadd.s32 $0x200, s14;
	s18 =	sand.u32 $0x380, s15;
	s15 =	sadd.s32 $0x40, s15;
	v2 =	vld [tilespmem:s16+$0x0];
	[tilespmem:s19+$0x0] =	vst v6;
	v5 =	vsub.f32 v7, v5  }
0xb3: {  	v6 =	vld [tilespmem:s16+$0x180]  }
0xb4: {  	v7 =	vld [tilespmem:s30+$0x0]  }
0xb5: {  	v8 =	vld [tilespmem:s30+$0x180];
	_ =	sdelay $0x1  }
0xb6: {  	s7 =	sor.u32 $0x3800, s18;
	v0 =	vsub.f32 v0, v3  }
0xb7: {  	s15 =	simm.s32 $0x1;
	[tilespmem:s17+$0x0] =	vst v5;
	s14 =	sor.u32 s22, s7;
	v1 =	vsub.f32 v1, v4  }
0xb8: {  	s15 =	simm.s32 @!p1 $0x0;
	[tilespmem:s14+$0x0] =	vst v0;
	v0 =	vsub.f32 v2, v6  }
0xb9: {  	s30 =	sor.u32 s11, s7;
	s11 =	sshll.u32 s15, $0x6;
	[tilespmem:s13+$0x0] =	vst v1;
	v1 =	vsub.f32 v7, v8  }
0xba: {  	s7 =	sor.u32 s12, s7;
	s14 =	sadd.s32 $0x0, s11;
	[tilespmem:s30+$0x0] =	vst v0  }
0xbb: {  	s15 =	sor.u32 s8, s10;
	s16 =	sadd.s32 $0x30, s14;
	[tilespmem:s7+$0x0] =	vst v1  }
0xbc: {  	s17 =	sadd.s32 $0x10, s14;
	s8 =	sor.u32 $0x200, s16;
	v1 =	vld [tilespmem:s15+$0x1CB0]  }
0xbd: {  	s18 =	sadd.s32 $0x20, s14;
	s10 =	sor.u32 $0x200, s17;
	v4 =	vld [tilespmem:s8+$0x1C00]  }
0xbe: {  	s19 =	sor.u32 $0x200, s18;
	v7 =	vld [tilespmem:s10+$0x1C00]  }
0xbf: {  	p1 =	por !p1, !p1;
	s20 =	sor.u32 $0x200, s14;
	v2 =	vld [tilespmem:s19+$0x1C00];
	s8 =	simm.s32 $0x1  }
0xc0: {  	v6 =	vld [tilespmem:s20+$0x1C00];
	s8 =	simm.s32 @!p1 $0x0  }
0xc1: {  	v8 =	vld [tilespmem:s15+$0x1C80];
	s8 =	sshll.u32 s8, $0x6  }
0xc2: {  	v9 =	vld [tilespmem:s15+$0x1C90];
	s21 =	sadd.s32 $0x200, s8  }
0xc3: {  	s6 =	sor.u32 s6, s9;
	v3 =	vld [tilespmem:s15+$0x1CA0];
	s22 =	sadd.s32 $0x30, s21  }
0xc4: {  	v0 =	vld [tilespmem:s6+$0x1CB0];
	s23 =	sadd.s32 $0x10, s21;
	s9 =	sor.u32 $0x200, s22  }
0xc5: {  	s29 =	sadd.s32 $0x20, s21;
	v4 =	vsub.f32 v1, v4;
	s7 =	sor.u32 $0x200, s23;
	v5 =	vld [tilespmem:s9+$0x1C00]  }
0xc6: {  	p2 =	por !p1, !p1;
	s13 =	sand.u32 $0x3C0, s4;
	s30 =	sor.u32 $0x200, s29;
	v1 =	vld [tilespmem:s7+$0x1C00]  }
0xc7: {  	s10 =	simm.s32 $0x4;
	s14 =	sor.u32 $0x200, s21;
	v6 =	vsub.f32 v8, v6;
	v7 =	vsub.f32 v9, v7;
	s9 =	sand.u32 $0x3C0, s2;
	[tilespmem:s5+$0x0] =	vst v4;
	v4 =	vld [tilespmem:s30+$0x1C00]  }
.LBB2_10:
0xc8: {  	s4 =	simm.s32 $0x1;
	s10 =	sadd.s32 $0x4, s10  }
0xc9: {  	v8 =	vld [tilespmem:s14+$0x1C00];
	s1 =	sadd.s32 $0x200, s1;
	[tilespmem:s13+$0x3B80] =	vst v6;
	v2 =	vsub.f32 v3, v2;
	s2 =	sadd.s32 $0x40, s2;
	s4 =	simm.s32 @!p2 $0x0  }
0xca: {  	p3 =	slt.u32 s10, $0x34;
	s7 =	sand.u32 $0x40, s2;
	s4 =	sshll.u32 s4, $0x6;
	v6 =	vld [tilespmem:s6+$0x1C80];
	[tilespmem:s5+$0xFFFFFFE0] =	vst v7  }
0xcb: {  	s12 =	sand.u32 $0x1C00, s1;
	v5 =	vsub.f32 v0, v5;
	s4 =	sadd.s32 s4, s1;
	v7 =	vld [tilespmem:s6+$0x1C90];
	[tilespmem:s5+$0xFFFFFFF0] =	vst v2;
	s5 =	sadd.s32 $0x40, s5  }
.Ltmp4:
0xcc: {  	s13 =	sadd.s32 $0x30, s4;
	v3 =	vld [tilespmem:s6+$0x1CA0];
	s6 =	sor.u32 s7, s12;
	(pc) =	sbr.rel @p3 .LBB2_10-.Ltmp4, $4  }
0xcd: {  	v9 =	vmov v1;
	s7 =	sadd.s32 $0x10, s4;
	s12 =	sadd.s32 $0x20, s4;
	v2 =	vmov v4;
	v0 =	vld [tilespmem:s6+$0x1CB0];
	s13 =	sor.u32 $0x200, s13;
	[tilespmem:s5+$0x0] =	vst v5  }
0xce: {  	s14 =	sor.u32 $0x200, s4;
	s4 =	sor.u32 $0x200, s7;
	s7 =	sor.u32 $0x200, s12;
	v5 =	vld [tilespmem:s13+$0x1C00]  }
0xcf: {  	s13 =	smov.u32 s9;
	s9 =	sand.u32 $0x3C0, s2;
	v1 =	vld [tilespmem:s4+$0x1C00];
	s4 =	simm.s32 $0x3F30;
	v6 =	vsub.f32 v6, v8  }
0xd0: {  	p2 =	por !p2, !p2;
	s12 =	simm.s32 $0x0;
	v4 =	vld [tilespmem:s7+$0x1C00];
	v7 =	vsub.f32 v7, v9  }
0xd1: {  	v8 =	vld [tilespmem:s14+$0x1C00]  }
0xd2: {  	v9 =	vld [tilespmem:s6+$0x1C80]  }
0xd3: {  	v10 =	vld [tilespmem:s6+$0x1C90]  }
0xd4: {  	v11 =	vld [tilespmem:s6+$0x1CA0]  }
0xd5: {  	[tilespmem:s13+$0x3B80] =	vst v6;
	v2 =	vsub.f32 v3, v2  }
0xd6: {  	[tilespmem:s5+$0xFFFFFFE0] =	vst v7;
	v0 =	vsub.f32 v0, v5  }
0xd7: {  	s1 =	sadd.s32 $0x40, s5;
	[tilespmem:s5+$0xFFFFFFF0] =	vst v2;
	v2 =	vsub.f32 v9, v8  }
0xd8: {  	[tilespmem:s1+$0x0] =	vst v0;
	v0 =	vsub.f32 v10, v1  }
0xd9: {  	v1 =	vsub.f32 v11, v4;
	[tilespmem:s9+$0x3B80] =	vst v2  }
0xda: {  	s2 =	sadd.s32 $0x0, s11;
	s15 =	sand.u32 $0x40, s12;
	s16 =	sand.u32 $0x1C00, s12;
	[tilespmem:s1+$0xFFFFFFE0] =	vst v0  }
0xdb: {  	s6 =	sor.u32 s15, s16;
	s17 =	sadd.s32 $0x30, s2;
	[tilespmem:s1+$0xFFFFFFF0] =	vst v1  }
0xdc: {  	s18 =	sadd.s32 $0x10, s2;
	s1 =	sor.u32 $0x280, s17;
	v1 =	vld [tilespmem:s6+$0x1D30]  }
0xdd: {  	s7 =	sadd.s32 $0x20, s2;
	s5 =	sor.u32 $0x280, s18;
	v4 =	vld [tilespmem:s1+$0x1C00]  }
0xde: {  	s19 =	sor.u32 $0x280, s7;
	v7 =	vld [tilespmem:s5+$0x1C00]  }
0xdf: {  	s2 =	sor.u32 $0x280, s2;
	v2 =	vld [tilespmem:s19+$0x1C00]  }
0xe0: {  	v6 =	vld [tilespmem:s2+$0x1C00]  }
0xe1: {  	s20 =	sadd.s32 $0x200, s8;
	v8 =	vld [tilespmem:s6+$0x1D00]  }
0xe2: {  	s23 =	sadd.s32 $0x30, s20;
	s1 =	simm.s32 $0x200;
	s2 =	simm.s32 $0x40;
	v63 =	vld [tilespmem:s6+$0x1D10]  }
0xe3: {  	s8 =	sor.u32 $0x280, s23;
	v3 =	vld [tilespmem:s6+$0x1D20];
	s21 =	sand.u32 $0x40, s2;
	s22 =	sand.u32 $0x1C00, s1  }
0xe4: {  	s29 =	sadd.s32 $0x10, s20;
	s10 =	sadd.s32 $0x20, s20;
	v5 =	vld [tilespmem:s8+$0x1C00];
	s5 =	sor.u32 s21, s22  }
0xe5: {  	p1 =	por !p1, !p1;
	s30 =	sor.u32 $0x280, s10;
	s6 =	sor.u32 $0x280, s29;
	v0 =	vld [tilespmem:s5+$0x1D30];
	v4 =	vsub.f32 v1, v4  }
0xe6: {  	s10 =	sor.u32 $0x280, s20;
	s20 =	simm.s32 $0x3F00;
	s9 =	sand.u32 $0x3C0, s12;
	v1 =	vld [tilespmem:s6+$0x1C00]  }
0xe7: {  	s8 =	simm.s32 $0x4;
	s19 =	simm.s32 $0x3B80;
	s6 =	sand.u32 $0x3C0, s2;
	v6 =	vsub.f32 v8, v6;
	v7 =	vsub.f32 v63, v7;
	[tilespmem:s4+$0x0] =	vst v4;
	v4 =	vld [tilespmem:s30+$0x1C00]  }
.LBB2_12:
0xe8: {  	s7 =	simm.s32 $0x1;
	s8 =	sadd.s32 $0x4, s8  }
0xe9: {  	v8 =	vld [tilespmem:s10+$0x1C00];
	s1 =	sadd.s32 $0x200, s1;
	[tilespmem:s9+$0x3F00] =	vst v6;
	v2 =	vsub.f32 v3, v2;
	s2 =	sadd.s32 $0x40, s2;
	s7 =	simm.s32 @!p1 $0x0  }
0xea: {  	p2 =	slt.u32 s8, $0x34;
	s9 =	sand.u32 $0x40, s2;
	s7 =	sshll.u32 s7, $0x6;
	v6 =	vld [tilespmem:s5+$0x1D00];
	[tilespmem:s4+$0xFFFFFFE0] =	vst v7  }
0xeb: {  	s10 =	sand.u32 $0x1C00, s1;
	v5 =	vsub.f32 v0, v5;
	s7 =	sadd.s32 s7, s1;
	v7 =	vld [tilespmem:s5+$0x1D10];
	[tilespmem:s4+$0xFFFFFFF0] =	vst v2;
	s4 =	sadd.s32 $0x40, s4  }
.Ltmp5:
0xec: {  	s11 =	sadd.s32 $0x30, s7;
	v3 =	vld [tilespmem:s5+$0x1D20];
	s5 =	sor.u32 s9, s10;
	(pc) =	sbr.rel @p2 .LBB2_12-.Ltmp5, $4  }
0xed: {  	v9 =	vmov v1;
	s9 =	sadd.s32 $0x10, s7;
	s12 =	sadd.s32 $0x20, s7;
	v2 =	vmov v4;
	v0 =	vld [tilespmem:s5+$0x1D30];
	s11 =	sor.u32 $0x280, s11;
	[tilespmem:s4+$0x0] =	vst v5  }
0xee: {  	s10 =	sor.u32 $0x280, s7;
	s7 =	sor.u32 $0x280, s9;
	s12 =	sor.u32 $0x280, s12;
	v5 =	vld [tilespmem:s11+$0x1C00]  }
0xef: {  	s9 =	smov.u32 s6;
	s6 =	sand.u32 $0x3C0, s2;
	v1 =	vld [tilespmem:s7+$0x1C00];
	v6 =	vsub.f32 v6, v8  }
0xf0: {  	p1 =	por !p1, !p1;
	v4 =	vld [tilespmem:s12+$0x1C00];
	v7 =	vsub.f32 v7, v9  }
0xf1: {  	v8 =	vld [tilespmem:s10+$0x1C00]  }
0xf2: {  	v9 =	vld [tilespmem:s5+$0x1D00]  }
0xf3: {  	v10 =	vld [tilespmem:s5+$0x1D10]  }
0xf4: {  	v11 =	vld [tilespmem:s5+$0x1D20]  }
0xf5: {  	[tilespmem:s9+$0x3F00] =	vst v6;
	v2 =	vsub.f32 v3, v2  }
0xf6: {  	[tilespmem:s4+$0xFFFFFFE0] =	vst v7;
	v0 =	vsub.f32 v0, v5  }
0xf7: {  	s1 =	sadd.s32 $0x40, s4;
	[tilespmem:s4+$0xFFFFFFF0] =	vst v2;
	v2 =	vsub.f32 v9, v8  }
0xf8: {  	[tilespmem:s1+$0x0] =	vst v0;
	v0 =	vsub.f32 v10, v1  }
0xf9: {  	v1 =	vsub.f32 v11, v4;
	[tilespmem:s6+$0x3F00] =	vst v2  }
0xfa: {  	[tilespmem:s1+$0xFFFFFFE0] =	vst v0  }
0xfb: {  	[tilespmem:s1+$0xFFFFFFF0] =	vst v1  }
0xfc: {  	s2 =	simm.s32 $0x3800;
	s1 =	rddreg [dreg:$0xe]  }
0xfd: {  	[spmem:s1] =	stream.linear.scatter [tilespmem:s2], [sflag:$0x2], $0x380, $0x38;
	[tilespmem:$0x1FD10] =	vst v63  }
0xfe: {  	s7 =	rddreg [dreg:$0xf]  }
0xff: {  	[spmem:s7] =	stream.linear.scatter [tilespmem:s19], [sflag:$0x2], $0x380, $0x38;
	[tilespmem:$0x1FD10] =	vst v63  }
0x100: {  	s8 =	rddreg [dreg:$0x10]  }
0x101: {  	[spmem:s8] =	stream.linear.scatter [tilespmem:s20], [sflag:$0x2], $0x380, $0x38;
	[tilespmem:$0x1FD10] =	vst v63  }
0x102: {  	_ =	swait.ge [sflag:s31], $0x380  }
0x103: {  	[sflag:s31] =	ssyncset.done $0x0  }
0x104: {  	[sflag:s31] =	ssyncadd.s32 $0xFFFFFC80  }
0x105: {  	_ =	swait.ge [sflag:s31], $0x380  }
0x106: {  	[sflag:s31] =	ssyncset.done $0x0  }
0x107: {  	[sflag:s31] =	ssyncadd.s32 $0xFFFFFC80  }
0x108: {  	_ =	swait.ge [sflag:s31], $0x380  }
0x109: {  	[sflag:s31] =	ssyncset.done $0x0  }
0x10a: {  	[sflag:s31] =	ssyncadd.s32 $0xFFFFFC80  }
0x10b: {  	[bflag:$0x0] =	sbarrier.arrive $0xFFFF  }
0x10c: {  	s10 =	simm.s32 $0x7A80;
	s9 =	rddreg [dreg:$0x11]  }
0x10d: {  	[tilespmem:s10], [sflag:$0x3] =	stream.linear.gather [spmem:s9], $0x3800, $0x38;
	[tilespmem:$0x1FD10] =	vst v63  }
0x10e: {  	s12 =	simm.s32 $0xEA80;
	s11 =	rddreg [dreg:$0x12]  }
0x10f: {  	[tilespmem:s12], [sflag:$0x3] =	stream.linear.gather [spmem:s11], $0x3800, $0x38;
	[tilespmem:$0x1FD10] =	vst v63  }
0x110: {  	s14 =	simm.s32 $0x15A80;
	s13 =	rddreg [dreg:$0x13]  }
0x111: {  	[tilespmem:s14], [sflag:$0x3] =	stream.linear.gather [spmem:s13], $0x3800, $0x38;
	[tilespmem:$0x1FD10] =	vst v63  }
0x112: {  	_ =	swait.ge [sflag:s25], $0x3800  }
0x113: {  	[sflag:s25] =	ssyncset.done $0x0  }
0x114: {  	[sflag:s25] =	ssyncadd.s32 $0xFFFFC800  }
0x115: {  	_ =	swait.ge [sflag:s25], $0x3800  }
0x116: {  	[sflag:s25] =	ssyncset.done $0x0  }
0x117: {  	[sflag:s25] =	ssyncadd.s32 $0xFFFFC800  }
0x118: {  	_ =	swait.ge [sflag:s25], $0x3800  }
0x119: {  	[sflag:s25] =	ssyncset.done $0x0  }
0x11a: {  	[sflag:s25] =	ssyncadd.s32 $0xFFFFC800  }
0x11b: {  	_ =	swait.ge [sflag:s25], $0x3800  }
0x11c: {  	[sflag:s25] =	ssyncset.done $0x0  }
0x11d: {  	[sflag:s25] =	ssyncadd.s32 $0xFFFFC800  }
0x11e: {  	_ =	swait.ge [sflag:s25], $0x3800  }
0x11f: {  	[sflag:s25] =	ssyncset.done $0x0  }
0x120: {  	[sflag:s25] =	ssyncadd.s32 $0xFFFFC800  }
0x121: {  	_ =	swait.ge [sflag:s25], $0x3800  }
0x122: {  	[sflag:s25] =	ssyncset.done $0x0  }
0x123: {  	[sflag:s25] =	ssyncadd.s32 $0xFFFFC800  }
0x124: {  	_ =	swait.ge [sflag:s28], $0x3800  }
0x125: {  	[sflag:s28] =	ssyncset.done $0x0  }
0x126: {  	s15 =	simm.s32 $0x0;
	s16 =	simm.s32 $0x10;
	[sflag:s28] =	ssyncadd.s32 $0xFFFFC800  }
0x127: {  	s5 =	simm.s32 $0x0;
	s17 =	sor.u32 s16, s15;
	_ =	swait.ge [sflag:s28], $0x1C00  }
0x128: {  	s2 =	sor.u32 $0x380, s17;
	s7 =	sand.u32 $0x3, s5;
	[sflag:s28] =	ssyncset.done $0x0  }
0x129: {  	s7 =	sshll.u32 s7, $0x5;
	s8 =	sor.u32 s5, s15;
	[sflag:s28] =	ssyncadd.s32 $0xFFFFE400  }
0x12a: {  	s18 =	sand.u32 $0x1C00, s15;
	s7 =	sadd.s32 $0x0, s7;
	s1 =	sor.u32 $0x380, s8;
	v0 =	vld [tilespmem:s2+$0x1AE80]  }
0x12b: {  	s21 =	sadd.s32 $0x1CA80, s18;
	s4 =	sand.u32 $0x70, s16;
	s7 =	sor.u32 $0x300, s7;
	v5 =	vld [tilespmem:s1+$0x1AE80]  }
0x12c: {  	s22 =	sand.u32 $0x60, s5;
	s6 =	sor.u32 s4, s21;
	v3 =	vld [tilespmem:s7+$0x19280]  }
0x12d: {  	s8 =	sadd.s32 $0x1AE80, s18;
	s9 =	sor.u32 s22, s21;
	v1 =	vld [tilespmem:s6+$0x0]  }
0x12e: {  	s23 =	sor.u32 s4, s8;
	v2 =	vld [tilespmem:s9+$0x0]  }
0x12f: {  	v11 =	vld [tilespmem:s23+$0x0]  }
0x130: {  	v12 =	vld [tilespmem:s23+$0x80]  }
0x131: {  	v13 =	vld [tilespmem:s23+$0x100]  }
0x132: {  	v18 =	vld [tilespmem:s23+$0x180]  }
0x133: {  	v20 =	vld [tilespmem:s23+$0x200]  }
0x134: {  	s8 =	sor.u32 s22, s8;
	v21 =	vld [tilespmem:s23+$0x280]  }
0x135: {  	v22 =	vld [tilespmem:s8+$0x0]  }
0x136: {  	v23 =	vld [tilespmem:s8+$0x80]  }
0x137: {  	s30 =	sand.u32 $0x7, s5;
	v24 =	vld [tilespmem:s8+$0x100]  }
0x138: {  	s6 =	sshll.u32 s30, $0x4;
	v25 =	vld [tilespmem:s8+$0x180]  }
0x139: {  	v26 =	vld [tilespmem:s8+$0x200];
	s6 =	sadd.s32 $0x0, s6  }
0x13a: {  	v27 =	vld [tilespmem:s8+$0x280];
	s6 =	sadd.s32 $0x10, s6  }
0x13b: {  	v28 =	vld [tilespmem:s7+$0x1AE80];
	s6 =	sor.u32 $0x300, s6  }
0x13c: {  	v4 =	vld [tilespmem:s6+$0x19280]  }
0x13d: {  	v33 =	vld [tilespmem:s6+$0x1AE80]  }
0x13e: {  	v29 =	vld.idx.msk [tilespmem:v0+s0+$0x0], $0xffff  }
0x13f: {  	v30 =	vld.idx.msk [tilespmem:v5+s0+$0x0], $0xffff  }
0x140: {  	v31 =	vld.idx.msk [tilespmem:v11+s0+$0x0], $0xffff  }
0x141: {  	v32 =	vld.idx.msk [tilespmem:v12+s0+$0x0], $0xffff  }
0x142: {  	v34 =	vld.idx.msk [tilespmem:v13+s0+$0x0], $0xffff  }
0x143: {  	v35 =	vld.idx.msk [tilespmem:v18+s0+$0x0], $0xffff  }
0x144: {  	v36 =	vld.idx.msk [tilespmem:v20+s0+$0x0], $0xffff  }
0x145: {  	v37 =	vld.idx.msk [tilespmem:v21+s0+$0x0], $0xffff  }
0x146: {  	v38 =	vld.idx.msk [tilespmem:v22+s0+$0x0], $0xffff  }
0x147: {  	v39 =	vld.idx.msk [tilespmem:v23+s0+$0x0], $0xffff  }
0x148: {  	v6 =	vadd.s32 $0xE000, v0;
	v40 =	vld.idx.msk [tilespmem:v24+s0+$0x0], $0xffff  }
0x149: {  	v7 =	vadd.s32 $0xE000, v5;
	v41 =	vld.idx.msk [tilespmem:v25+s0+$0x0], $0xffff  }
0x14a: {  	v9 =	vadd.s32 $0x7000, v5;
	v42 =	vld.idx.msk [tilespmem:v26+s0+$0x0], $0xffff  }
0x14b: {  	v10 =	vadd.s32 $0xE000, v11;
	v43 =	vld.idx.msk [tilespmem:v27+s0+$0x0], $0xffff  }
0x14c: {  	v14 =	vadd.s32 $0xE000, v12;
	v44 =	vld.idx.msk [tilespmem:v28+s0+$0x0], $0xffff  }
0x14d: {  	v15 =	vadd.s32 $0xE000, v13;
	v5 =	vld.idx.msk [tilespmem:v6+s0+$0x0], $0xffff  }
0x14e: {  	v53 =	vadd.s32 $0x7000, v18;
	v8 =	vld.idx.msk [tilespmem:v7+s0+$0x0], $0xffff  }
0x14f: {  	v0 =	vadd.s32 $0x7000, v0;
	v7 =	vld.idx.msk [tilespmem:v9+s0+$0x0], $0xffff  }
0x150: {  	v46 =	vld.idx.msk [tilespmem:v10+s0+$0x0], $0xffff  }
0x151: {  	v9 =	vadd.s32 $0xE000, v20;
	v47 =	vld.idx.msk [tilespmem:v14+s0+$0x0], $0xffff  }
0x152: {  	v10 =	vadd.s32 $0xE000, v21;
	v48 =	vld.idx.msk [tilespmem:v15+s0+$0x0], $0xffff  }
0x153: {  	v16 =	vadd.s32 $0xE000, v22;
	v54 =	vadd.s32 $0x7000, v22;
	v22 =	vld.idx.msk [tilespmem:v53+s0+$0x0], $0xffff  }
0x154: {  	v6 =	vld.idx.msk [tilespmem:v0+s0+$0x0], $0xffff;
	v0 =	vadd.s32 $0xE000, v18  }
0x155: {  	v14 =	vadd.s32 $0xE000, v23;
	v45 =	vld.idx.msk [tilespmem:v33+s0+$0x0], $0xffff  }
0x156: {  	v15 =	vadd.s32 $0xE000, v24;
	v50 =	vld.idx.msk [tilespmem:v9+s0+$0x0], $0xffff  }
0x157: {  	v17 =	vadd.s32 $0xE000, v26;
	v51 =	vld.idx.msk [tilespmem:v10+s0+$0x0], $0xffff  }
0x158: {  	v19 =	vadd.s32 $0xE000, v27;
	v9 =	vld.idx.msk [tilespmem:v16+s0+$0x0], $0xffff  }
0x159: {  	v49 =	vld.idx.msk [tilespmem:v0+s0+$0x0], $0xffff;
	v0 =	vadd.s32 $0xE000, v25  }
0x15a: {  	v52 =	vadd.s32 $0xE000, v28;
	v10 =	vld.idx.msk [tilespmem:v14+s0+$0x0], $0xffff  }
0x15b: {  	v11 =	vadd.s32 $0x7000, v11;
	v14 =	vld.idx.msk [tilespmem:v15+s0+$0x0], $0xffff  }
0x15c: {  	v15 =	vld.idx.msk [tilespmem:v17+s0+$0x0], $0xffff  }
0x15d: {  	v58 =	vadd.s32 $0x7000, v20;
	v17 =	vld.idx.msk [tilespmem:v19+s0+$0x0], $0xffff  }
0x15e: {  	v16 =	vld.idx.msk [tilespmem:v0+s0+$0x0], $0xffff;
	v0 =	vadd.s32 $0x7000, v12  }
0x15f: {  	v19 =	vld.idx.msk [tilespmem:v52+s0+$0x0], $0xffff;
	v12 =	vadd.s32 $0x7000, v13  }
0x160: {  	v13 =	vld.idx.msk [tilespmem:v11+s0+$0x0], $0xffff;
	v11 =	vadd.s32 $0x7000, v21  }
0x161: {  	v59 =	vadd.s32 $0x7000, v25;
	v60 =	vadd.s32 $0x7000, v28;
	v25 =	vld.idx.msk [tilespmem:v54+s0+$0x0], $0xffff  }
0x162: {  	v61 =	vadd.s32 $0xE000, v33;
	v21 =	vld.idx.msk [tilespmem:v58+s0+$0x0], $0xffff  }
0x163: {  	v18 =	vld.idx.msk [tilespmem:v0+s0+$0x0], $0xffff;
	v0 =	vadd.s32 $0x7000, v23  }
0x164: {  	v20 =	vld.idx.msk [tilespmem:v12+s0+$0x0], $0xffff;
	v12 =	vadd.s32 $0x7000, v24  }
0x165: {  	v26 =	vadd.s32 $0x7000, v26;
	v23 =	vld.idx.msk [tilespmem:v11+s0+$0x0], $0xffff  }
0x166: {  	v34 =	vadd.f32 v35, v34;
	v11 =	vadd.s32 $0x7000, v27;
	v24 =	vadd.f32 v37, v36;
	v36 =	vld.idx.msk [tilespmem:v60+s0+$0x0], $0xffff  }
0x167: {  	v39 =	vadd.f32 v39, v38;
	v40 =	vadd.f32 v41, v40;
	v37 =	vld.idx.msk [tilespmem:v61+s0+$0x0], $0xffff  }
0x168: {  	v62 =	vadd.f32 v43, v42;
	v63 =	vadd.f32 v30, v44;
	v38 =	vadd.s32 $0x7000, v33;
	v27 =	vld.idx.msk [tilespmem:v0+s0+$0x0], $0xffff  }
0x169: {  	v33 =	vadd.f32 v40, v39;
	v30 =	vadd.f32 v29, v45;
	v28 =	vld.idx.msk [tilespmem:v12+s0+$0x0], $0xffff  }
0x16a: {  	s29 =	simm.s32 $0x0;
	v29 =	vadd.f32 v49, v48;
	v0 =	vadd.f32 v32, v31;
	v32 =	vld.idx.msk [tilespmem:v26+s0+$0x0], $0xffff  }
0x16b: {  	s10 =	simm.s32 $0x0;
	s11 =	simm.s32 $0x0;
	s13 =	rddreg [dreg:$0x4];
	v35 =	vld.idx.msk [tilespmem:v11+s0+$0x0], $0xffff;
	v26 =	vadd.f32 v47, v46;
	v11 =	vadd.f32 v51, v50  }
0x16c: {  	s8 =	simm.s32 $0x110;
	s9 =	simm.s32 $0x20;
	s6 =	simm.s32 $0x0;
	v31 =	vld.idx.msk [tilespmem:v59+s0+$0x0], $0xffff;
	v12 =	vadd.f32 v34, v0;
	v0 =	vimm.f32 $0.0e+00;
	v34 =	vadd.f32 v63, v62  }
.LBB2_14:
0x16d: {  	s30 =	sadd.s32 $0xFFFFFFF0, s8;
	s12 =	sadd.s32 $0x10, s9;
	v39 =	vadd.f32 v10, v9;
	v38 =	vld.idx.msk [tilespmem:v38+s0+$0x0], $0xffff;
	s13 =	sadd.s32 s5, s13  }
0x16e: {  	v10 =	vld [tilespmem:s2+$0x19280];
	s7 =	sor.u32 s12, s30;
	s17 =	sand.u32 $0xFF80, s13;
	v24 =	vadd.f32 v30, v24;
	v21 =	vadd.f32 v23, v21  }
0x16f: {  	s2 =	sor.u32 $0x380, s7;
	s7 =	sadd.s32 $0x4280, s17;
	v16 =	vadd.f32 v16, v14;
	v15 =	vadd.f32 v17, v15;
	v14 =	vld [tilespmem:s1+$0x19280]  }
0x170: {  	s18 =	sor.u32 s4, s7;
	v17 =	vadd.f32 v8, v19;
	v13 =	vadd.f32 v18, v13;
	v8 =	vld [tilespmem:s2+$0x1AE80]  }
0x171: {  	s14 =	sor.u32 s9, s30;
	s21 =	sadd.s32 $0x7000, s13;
	v18 =	vadd.f32 v22, v20;
	v19 =	vadd.s32 $0x7000, v2;
	v20 =	vadd.f32 v27, v25;
	v27 =	vld [tilespmem:s18+$0x0]  }
0x172: {  	v40 =	vadd.s32 $0xE000, v1;
	v41 =	vadd.s32 $0xE000, v2;
	s1 =	sor.u32 $0x380, s14;
	v2 =	vld.idx.msk [tilespmem:v2+s0+$0x0], $0xffff;
	v5 =	vadd.f32 v5, v37;
	s14 =	sand.u32 $0x7FFFFF80, s21  }
0x173: {  	v25 =	vadd.s32 $0x7000, v1;
	v1 =	vld.idx.msk [tilespmem:v1+s0+$0x0], $0xffff;
	s14 =	sadd.s32 $0x4280, s14;
	v16 =	vadd.f32 v16, v39;
	v15 =	vadd.f32 v17, v15  }
0x174: {  	v3 =	vmax.f32 v3, $1.000000000e-30;
	v22 =	vadd.f32 v31, v28;
	v4 =	vmax.f32 v4, $1.000000000e-30;
	v9 =	vld [tilespmem:s1+$0x1AE80];
	s23 =	sor.u32 s22, s14  }
0x175: {  	(erf) = vrcp.f32 v3;
	v5 =	vadd.f32 v5, v11;
	v11 =	vadd.f32 v15, v16;
	v15 =	vld [tilespmem:s23+$0x0]  }
0x176: {  	v23 =	vadd.f32 v35, v32;
	v7 =	vadd.f32 v7, v36;
	(erf) = vrcp.f32 v4;
	v4 =	vld.idx.msk [tilespmem:v19+s0+$0x0], $0xffff  }
0x177: {  	s13 =	sadd.s32 $0xE000, s13;
	v3 =	vadd.f32 v34, v33;
	v17 =	vadd.f32 v22, v20;
	v19 =	vld.idx.msk [tilespmem:v41+s0+$0x0], $0xffff  }
0x178: {  	s10 =	sadd.s32 $0x1, s10;
	s29 =	sadd.s32 $0x100, s29;
	s13 =	sand.u32 $0x7FFFFF80, s13;
	v13 =	vadd.f32 v18, v13;
	v7 =	vadd.f32 v7, v23;
	v18 =	vld.idx.msk [tilespmem:v25+s0+$0x0], $0xffff  }
0x179: {  	s15 =	sand.u32 $0x3, s10;
	v12 =	vadd.f32 v24, v12;
	s7 =	sor.u32 s22, s7;
	s13 =	sadd.s32 $0x4280, s13;
	v20 =	vld.idx.msk [tilespmem:v40+s0+$0x0], $0xffff  }
0x17a: {  	s15 =	sshll.u32 s15, $0x5;
	s16 =	sor.u32 s22, s13;
	s17 =	sor.u32 s4, s14;
	v2 =	vadd.f32 v3, v2;
	v3 =	vadd.f32 v7, v17;
	v7 =	vld [tilespmem:s7+$0x0]  }
0x17b: {  	s18 =	sadd.s32 s15, s29;
	s21 =	sand.u32 $0x1C00, s30;
	s23 =	sor.u32 s4, s13;
	v1 =	vadd.f32 v12, v1;
	v12 =	vld [tilespmem:s17+$0x0]  }
0x17c: {  	v6 =	vadd.f32 v6, v38;
	s22 =	sand.u32 $0x60, s9;
	s13 =	sor.u32 $0x300, s18;
	s18 =	sadd.s32 $0x1AE80, s21;
	v17 =	vld [tilespmem:s23+$0x0]  }
0x17d: {  	s4 =	sand.u32 $0x70, s12;
	s12 =	sor.u32 s22, s18;
	v28 =	vld [tilespmem:s13+$0x1AE80]  }
0x17e: {  	v6 =	vadd.f32 v6, v21;
	v21 =	vld [tilespmem:s12+$0x0]  }
0x17f: {  	v22 =	vld [tilespmem:s12+$0x80]  }
0x180: {  	v23 =	vld [tilespmem:s12+$0x100]  }
0x181: {  	s11 =	sadd.s32 $0x2, s11;
	v26 =	vadd.f32 v29, v26;
	v24 =	vld [tilespmem:s12+$0x180]  }
0x182: {  	s23 =	sand.u32 $0x7, s11;
	v25 =	vld [tilespmem:s12+$0x200]  }
0x183: {  	v5 =	vadd.f32 v5, v26;
	s7 =	sshll.u32 s23, $0x4;
	v26 =	vld [tilespmem:s12+$0x280]  }
0x184: {  	s7 =	sadd.s32 s30, s7;
	v30 =	vld.idx.msk [tilespmem:v8+s0+$0x0], $0xffff  }
0x185: {  	s7 =	sadd.s32 $0x10, s7;
	v32 =	vld.idx.msk [tilespmem:v9+s0+$0x0], $0xffff  }
0x186: {  	s7 =	sor.u32 $0x300, s7;
	v3 =	vadd.f32 v3, v4;
	v4 =	vld [tilespmem:s16+$0x0]  }
0x187: {  	v6 =	vadd.f32 v6, v13;
	s16 =	sadd.s32 $0x1CA80, s21;
	s21 =	sor.u32 s4, s18;
	v29 =	vld [tilespmem:s7+$0x1AE80]  }
0x188: {  	v11 =	vadd.f32 v11, v19;
	v13 =	vpop (erf);
	v5 =	vadd.f32 v5, v20;
	v20 =	vld [tilespmem:s21+$0x200]  }
0x189: {  	v6 =	vadd.f32 v6, v18;
	v2 =	vmul.f32 v13, v2;
	v18 =	vpop (erf);
	s17 =	sor.u32 s4, s16;
	v16 =	vmul.f32 v13, v3;
	v3 =	vld [tilespmem:s13+$0x19280]  }
0x18a: {  	v11 =	vmul.f32 v13, v11;
	v13 =	vmul.f32 v18, v1;
	v1 =	vld [tilespmem:s17+$0x0]  }
0x18b: {  	s14 =	sor.u32 s22, s16;
	v6 =	vmul.f32 v18, v6;
	v5 =	vmul.f32 v18, v5;
	v18 =	vld [tilespmem:s21+$0x180]  }
0x18c: {  	v7 =	vsub.f32 v7, v2;
	v2 =	vld [tilespmem:s14+$0x0]  }
0x18d: {  	v44 =	vld.idx.msk [tilespmem:v28+s0+$0x0], $0xffff  }
0x18e: {  	v6 =	vsub.f32 v12, v6;
	v12 =	vld [tilespmem:s21+$0x80]  }
0x18f: {  	v5 =	vsub.f32 v17, v5;
	v17 =	vld [tilespmem:s21+$0x100]  }
0x190: {  	v59 =	vld.idx.msk [tilespmem:v21+s0+$0x0], $0xffff  }
0x191: {  	v60 =	vld.idx.msk [tilespmem:v22+s0+$0x0], $0xffff  }
0x192: {  	v54 =	vadd.s32 $0x7000, v21;
	v40 =	vld.idx.msk [tilespmem:v23+s0+$0x0], $0xffff  }
0x193: {  	v55 =	vadd.s32 $0x7000, v23;
	v61 =	vld.idx.msk [tilespmem:v24+s0+$0x0], $0xffff  }
0x194: {  	v42 =	vld.idx.msk [tilespmem:v25+s0+$0x0], $0xffff  }
0x195: {  	v52 =	vadd.s32 $0xE000, v28;
	v43 =	vld.idx.msk [tilespmem:v26+s0+$0x0], $0xffff  }
0x196: {  	v58 =	vadd.s32 $0x7000, v28;
	v4 =	vsub.f32 v4, v11;
	v11 =	vsub.f32 v27, v13;
	v13 =	vld [tilespmem:s21+$0x0]  }
0x197: {  	v57 =	vadd.s32 $0x7000, v25;
	v15 =	vsub.f32 v15, v16;
	v27 =	vadd.s32 $0xE000, v25;
	v25 =	vld.idx.msk [tilespmem:v54+s0+$0x0], $0xffff  }
0x198: {  	v6 =	vmul.f32 v6, v6;
	v62 =	vadd.s32 $0x7000, v20;
	v28 =	vld.idx.msk [tilespmem:v55+s0+$0x0], $0xffff;
	v11 =	vmul.f32 v11, v11  }
0x199: {  	v7 =	vmul.f32 v7, v7;
	v15 =	vmul.f32 v15, v15;
	v45 =	vld.idx.msk [tilespmem:v29+s0+$0x0], $0xffff  }
0x19a: {  	v6 =	vadd.f32 v6, v11;
	v11 =	vld [tilespmem:s21+$0x280]  }
0x19b: {  	v4 =	vmul.f32 v4, v4;
	v16 =	vadd.s32 $0xE000, v18;
	v7 =	vadd.f32 v15, v7;
	v36 =	vld.idx.msk [tilespmem:v20+s0+$0x0], $0xffff  }
0x19c: {  	v19 =	vadd.s32 $0xE000, v21;
	v35 =	vld.idx.msk [tilespmem:v18+s0+$0x0], $0xffff  }
0x19d: {  	v5 =	vmul.f32 v5, v5;
	v15 =	vadd.s32 $0xE000, v17;
	v4 =	vadd.f32 v7, v4;
	v21 =	vld.idx.msk [tilespmem:v62+s0+$0x0], $0xffff  }
0x19e: {  	v33 =	vld.idx.msk [tilespmem:v12+s0+$0x0], $0xffff  }
0x19f: {  	v5 =	vadd.f32 v6, v5;
	v6 =	vadd.s32 $0xE000, v9;
	v4 =	vmul.f32 v4, v14;
	v34 =	vld.idx.msk [tilespmem:v17+s0+$0x0], $0xffff  }
0x1a0: {  	v7 =	vadd.s32 $0x7000, v8;
	v49 =	vld.idx.msk [tilespmem:v16+s0+$0x0], $0xffff  }
0x1a1: {  	v9 =	vadd.s32 $0x7000, v9;
	v31 =	vld.idx.msk [tilespmem:v13+s0+$0x0], $0xffff;
	v0 =	vadd.f32 v4, v0;
	v4 =	vmul.f32 v5, v10  }
0x1a2: {  	v48 =	vld.idx.msk [tilespmem:v15+s0+$0x0], $0xffff  }
0x1a3: {  	v14 =	vadd.s32 $0xE000, v12;
	v0 =	vadd.f32 v4, v0;
	v4 =	vld [tilespmem:s7+$0x19280]  }
0x1a4: {  	v16 =	vadd.s32 $0xE000, v24;
	v5 =	vadd.s32 $0xE000, v8;
	v8 =	vld.idx.msk [tilespmem:v6+s0+$0x0], $0xffff  }
0x1a5: {  	v12 =	vadd.s32 $0x7000, v12;
	v6 =	vld.idx.msk [tilespmem:v7+s0+$0x0], $0xffff  }
0x1a6: {  	v53 =	vadd.s32 $0x7000, v18;
	v7 =	vld.idx.msk [tilespmem:v9+s0+$0x0], $0xffff  }
0x1a7: {  	v10 =	vadd.s32 $0xE000, v13;
	v37 =	vld.idx.msk [tilespmem:v11+s0+$0x0], $0xffff  }
0x1a8: {  	v47 =	vld.idx.msk [tilespmem:v14+s0+$0x0], $0xffff  }
0x1a9: {  	v13 =	vadd.s32 $0x7000, v13;
	v16 =	vld.idx.msk [tilespmem:v16+s0+$0x0], $0xffff  }
0x1aa: {  	v9 =	vadd.s32 $0xE000, v20;
	v18 =	vld.idx.msk [tilespmem:v12+s0+$0x0], $0xffff  }
0x1ab: {  	v14 =	vadd.s32 $0xE000, v22;
	v12 =	vadd.s32 $0x7000, v22;
	v22 =	vld.idx.msk [tilespmem:v53+s0+$0x0], $0xffff  }
0x1ac: {  	v46 =	vld.idx.msk [tilespmem:v10+s0+$0x0], $0xffff;
	v10 =	vadd.s32 $0xE000, v11  }
0x1ad: {  	v5 =	vld.idx.msk [tilespmem:v5+s0+$0x0], $0xffff  }
0x1ae: {  	v15 =	vadd.s32 $0xE000, v23;
	v13 =	vld.idx.msk [tilespmem:v13+s0+$0x0], $0xffff  }
0x1af: {  	v50 =	vld.idx.msk [tilespmem:v9+s0+$0x0], $0xffff  }
0x1b0: {  	v9 =	vld.idx.msk [tilespmem:v19+s0+$0x0], $0xffff  }
0x1b1: {  	v59 =	vadd.f32 v60, v59;
	v60 =	vadd.s32 $0xE000, v29;
	v51 =	vld.idx.msk [tilespmem:v10+s0+$0x0], $0xffff  }
0x1b2: {  	v11 =	vadd.s32 $0x7000, v11;
	v10 =	vld.idx.msk [tilespmem:v14+s0+$0x0], $0xffff  }
0x1b3: {  	v19 =	vadd.s32 $0xE000, v26;
	v14 =	vld.idx.msk [tilespmem:v15+s0+$0x0], $0xffff  }
0x1b4: {  	v15 =	vld.idx.msk [tilespmem:v27+s0+$0x0], $0xffff;
	v27 =	vadd.s32 $0x7000, v17  }
0x1b5: {  	v63 =	vadd.s32 $0x7000, v24;
	v24 =	vadd.f32 v37, v36;
	v36 =	vld.idx.msk [tilespmem:v58+s0+$0x0], $0xffff  }
0x1b6: {  	v37 =	vld.idx.msk [tilespmem:v60+s0+$0x0], $0xffff  }
0x1b7: {  	v23 =	vld.idx.msk [tilespmem:v11+s0+$0x0], $0xffff;
	v11 =	vadd.s32 $0x7000, v26  }
0x1b8: {  	s6 =	sadd.s32 $0x2, s6;
	v17 =	vld.idx.msk [tilespmem:v19+s0+$0x0], $0xffff  }
0x1b9: {  	p1 =	slt.u32 s6, $0x36;
	v61 =	vadd.f32 v61, v40;
	v62 =	vadd.f32 v43, v42;
	v20 =	vld.idx.msk [tilespmem:v27+s0+$0x0], $0xffff  }
.Ltmp6:
0x1ba: {  	v38 =	vadd.s32 $0x7000, v29;
	v30 =	vadd.f32 v30, v45;
	v29 =	vadd.f32 v49, v48;
	v27 =	vld.idx.msk [tilespmem:v12+s0+$0x0], $0xffff;
	(pc) =	sbr.rel @p1 .LBB2_14-.Ltmp6, $4  }
0x1bb: {  	v26 =	vadd.f32 v35, v34;
	v12 =	vadd.f32 v33, v31;
	v31 =	vld.idx.msk [tilespmem:v63+s0+$0x0], $0xffff  }
0x1bc: {  	v63 =	vadd.f32 v32, v44;
	v35 =	vld.idx.msk [tilespmem:v11+s0+$0x0], $0xffff;
	v11 =	vadd.f32 v51, v50  }
0x1bd: {  	s5 =	smov.u32 s9;
	v19 =	vld.idx.msk [tilespmem:v52+s0+$0x0], $0xffff;
	v33 =	vadd.f32 v61, v59;
	v12 =	vadd.f32 v26, v12  }
0x1be: {  	s8 =	sadd.s32 $0x100, s8;
	s9 =	sadd.s32 $0x20, s9;
	s13 =	rddreg [dreg:$0x4];
	v32 =	vld.idx.msk [tilespmem:v57+s0+$0x0], $0xffff;
	v26 =	vadd.f32 v47, v46;
	v34 =	vadd.f32 v63, v62  }
0x1bf: {  	v9 =	vadd.f32 v10, v9;
	v56 =	vadd.f32 v16, v14;
	v57 =	vadd.s32 $0xE000, v1  }
0x1c0: {  	v59 =	vadd.s32 $0xE000, v2;
	v15 =	vadd.f32 v17, v15;
	v13 =	vadd.f32 v18, v13  }
0x1c1: {  	v3 =	vmax.f32 v3, $1.000000000e-30;
	v60 =	vadd.f32 v22, v20;
	v62 =	vadd.f32 v27, v25  }
0x1c2: {  	s5 =	sadd.s32 s5, s13;
	v61 =	vadd.s32 $0x7000, v2;
	v63 =	vadd.f32 v23, v21;
	v7 =	vadd.f32 v7, v36  }
0x1c3: {  	v58 =	vld.idx.msk [tilespmem:v38+s0+$0x0], $0xffff;
	v41 =	vadd.s32 $0x7000, v1;
	v24 =	vadd.f32 v30, v24;
	v5 =	vadd.f32 v5, v37;
	s6 =	sand.u32 $0xFF80, s5  }
0x1c4: {  	v4 =	vmax.f32 v4, $1.000000000e-30;
	v43 =	vld.idx.msk [tilespmem:v2+s0+$0x0], $0xffff;
	v39 =	vadd.f32 v31, v28;
	v44 =	vadd.f32 v34, v33;
	s6 =	sadd.s32 $0x4280, s6  }
0x1c5: {  	v45 =	vld.idx.msk [tilespmem:v1+s0+$0x0], $0xffff;
	(erf) = vrcp.f32 v3;
	v46 =	vadd.f32 v29, v26;
	v9 =	vadd.f32 v56, v9;
	s7 =	sor.u32 s4, s6  }
0x1c6: {  	(erf) = vrcp.f32 v4;
	v13 =	vadd.f32 v60, v13;
	v12 =	vadd.f32 v24, v12;
	s6 =	sor.u32 s22, s6;
	v42 =	vld [tilespmem:s7+$0x0]  }
0x1c7: {  	v5 =	vadd.f32 v5, v11;
	v40 =	vadd.f32 v35, v32;
	v52 =	vld [tilespmem:s6+$0x0]  }
0x1c8: {  	s15 =	sadd.s32 $0x7000, s5;
	v8 =	vadd.f32 v8, v19;
	v48 =	vadd.f32 v39, v62;
	v47 =	vld.idx.msk [tilespmem:v61+s0+$0x0], $0xffff  }
0x1c9: {  	s5 =	sadd.s32 $0xE000, s5;
	s7 =	sand.u32 $0x7FFFFF80, s15;
	v6 =	vadd.f32 v6, v58;
	v49 =	vld.idx.msk [tilespmem:v59+s0+$0x0], $0xffff;
	v7 =	vadd.f32 v7, v40  }
0x1ca: {  	s5 =	sand.u32 $0x7FFFFF80, s5;
	v5 =	vadd.f32 v5, v46;
	v8 =	vadd.f32 v8, v15;
	v50 =	vld.idx.msk [tilespmem:v41+s0+$0x0], $0xffff;
	s7 =	sadd.s32 $0x4280, s7  }
0x1cb: {  	s5 =	sadd.s32 $0x4280, s5;
	v14 =	vld.idx.msk [tilespmem:v57+s0+$0x0], $0xffff;
	s16 =	sor.u32 s22, s7;
	v6 =	vadd.f32 v6, v63;
	v51 =	vadd.f32 v7, v48  }
0x1cc: {  	s17 =	sor.u32 s22, s5;
	v2 =	vadd.f32 v44, v43;
	v53 =	vld [tilespmem:s16+$0x0];
	v8 =	vadd.f32 v8, v9  }
0x1cd: {  	v54 =	vld [tilespmem:s17+$0x0];
	s18 =	sor.u32 s4, s7;
	v6 =	vadd.f32 v6, v13;
	v3 =	vadd.f32 v51, v47  }
0x1ce: {  	s21 =	sor.u32 s4, s5;
	v1 =	vadd.f32 v12, v45;
	v55 =	vld [tilespmem:s18+$0x0];
	v8 =	vadd.f32 v8, v49;
	v56 =	vpop (erf)  }
0x1cf: {  	v57 =	vld [tilespmem:s21+$0x0];
	v2 =	vmul.f32 v56, v2;
	v6 =	vadd.f32 v6, v50;
	v58 =	vpop (erf);
	v3 =	vmul.f32 v56, v3  }
0x1d0: {  	v5 =	vadd.f32 v5, v14;
	v8 =	vmul.f32 v56, v8;
	v1 =	vmul.f32 v58, v1  }
0x1d1: {  	v2 =	vsub.f32 v52, v2;
	v6 =	vmul.f32 v58, v6;
	v3 =	vsub.f32 v53, v3  }
0x1d2: {  	v5 =	vmul.f32 v58, v5;
	v4 =	vsub.f32 v54, v8;
	v1 =	vsub.f32 v42, v1  }
0x1d3: {  	v2 =	vmul.f32 v2, v2;
	v6 =	vsub.f32 v55, v6;
	v3 =	vmul.f32 v3, v3  }
0x1d4: {  	v59 =	vld [tilespmem:s1+$0x19280];
	v5 =	vsub.f32 v57, v5;
	v1 =	vmul.f32 v1, v1  }
0x1d5: {  	v60 =	vmul.f32 v4, v4;
	v61 =	vmul.f32 v6, v6;
	v2 =	vadd.f32 v3, v2  }
0x1d6: {  	v62 =	vld [tilespmem:s2+$0x19280]  }
0x1d7: {  	v63 =	vmul.f32 v5, v5;
	v1 =	vadd.f32 v61, v1;
	v2 =	vadd.f32 v2, v60;
	_ =	sdelay $0x1  }
0x1d8: {  	v1 =	vadd.f32 v1, v63;
	v2 =	vmul.f32 v2, v59;
	_ =	sdelay $0x1  }
0x1d9: {  	v1 =	vmul.f32 v1, v62;
	v0 =	vadd.f32 v2, v0;
	_ =	sdelay $0x1  }
0x1da: {  	v0 =	vadd.f32 v1, v0;
	_ =	sdelay $0x1  }
0x1db: {  	s23 =	simm.s32 $0x1E680;
	s29 =	simm.s32 $0x5;
	s22 =	rddreg [dreg:$0x14];
	[tilespmem:$0x1E680] =	vst v0  }
0x1dc: {  	[spmem:s22] =	stream.linear.scatter [tilespmem:s23], [sflag:$0x5], $0x10, $0x38;
	[tilespmem:$0x1FD10] =	vst v63  }
0x1dd: {  	_ =	swait.ge [sflag:s29], $0x10  }
0x1de: {  	[sflag:s29] =	ssyncset.done $0x0  }
0x1df: {  	[sflag:s29] =	ssyncadd.s32 $0xFFFFFFF0  }
0x1e0: {  	[bflag:$0x0] =	sbarrier.arrive $0xFFFF  }
0x1e1: {  	s1 =	simm.s32 @!p0 $0x1E700;
	s2 =	rddreg [dreg:$0x2]  }
0x1e2: {  	[tilespmem:s1], [sflag:$0x5] =	stream.linear.gather @!p0 [spmem:s2], $0x100, $0x38;
	[tilespmem:$0x1FD10] =	vst v63  }
0x1e3: {  	s1 =	simm.s32 @!p0 $0x5  }
0x1e4: {  	_ =	swait.ge @!p0 [sflag:s1], $0x100  }
0x1e5: {  	[sflag:s1] =	ssyncset.done @!p0 $0x0  }
0x1e6: {  	[sflag:s1] =	ssyncadd.s32 @!p0 $0xFFFFFF00  }
0x1e7: {  	v0 =	vld @!p0 [tilespmem:$0x1E700]  }
0x1e8: {  	v1 =	vld @!p0 [tilespmem:$0x1E710];
	_ =	sdelay $0x1  }
0x1e9: {  	v2 =	vld @!p0 [tilespmem:$0x1E720];
	_ =	sdelay $0x1  }
0x1ea: {  	v3 =	vld @!p0 [tilespmem:$0x1E730]  }
0x1eb: {  	v0 =	vadd.f32 @!p0 v1, v0  }
0x1ec: {  	v1 =	vld @!p0 [tilespmem:$0x1E740]  }
0x1ed: {  	v0 =	vadd.f32 @!p0 v2, v0  }
0x1ee: {  	v2 =	vld @!p0 [tilespmem:$0x1E750]  }
0x1ef: {  	v0 =	vadd.f32 @!p0 v3, v0  }
0x1f0: {  	v3 =	vld @!p0 [tilespmem:$0x1E760]  }
0x1f1: {  	v0 =	vadd.f32 @!p0 v1, v0  }
0x1f2: {  	v1 =	vld @!p0 [tilespmem:$0x1E770]  }
0x1f3: {  	v0 =	vadd.f32 @!p0 v2, v0  }
0x1f4: {  	v2 =	vld @!p0 [tilespmem:$0x1E780]  }
0x1f5: {  	v0 =	vadd.f32 @!p0 v3, v0  }
0x1f6: {  	v3 =	vld @!p0 [tilespmem:$0x1E790]  }
0x1f7: {  	v0 =	vadd.f32 @!p0 v1, v0  }
0x1f8: {  	v1 =	vld @!p0 [tilespmem:$0x1E7A0]  }
0x1f9: {  	v0 =	vadd.f32 @!p0 v2, v0  }
0x1fa: {  	v2 =	vld @!p0 [tilespmem:$0x1E7B0]  }
0x1fb: {  	v0 =	vadd.f32 @!p0 v3, v0  }
0x1fc: {  	v3 =	vld @!p0 [tilespmem:$0x1E7C0]  }
0x1fd: {  	v0 =	vadd.f32 @!p0 v1, v0  }
0x1fe: {  	v1 =	vld @!p0 [tilespmem:$0x1E7D0]  }
0x1ff: {  	v0 =	vadd.f32 @!p0 v2, v0  }
0x200: {  	v2 =	vld @!p0 [tilespmem:$0x1E7E0]  }
0x201: {  	v0 =	vadd.f32 @!p0 v3, v0  }
0x202: {  	v3 =	vld @!p0 [tilespmem:$0x1E7F0]  }
0x203: {  	v0 =	vadd.f32 @!p0 v1, v0;
	_ =	sdelay $0x1  }
0x204: {  	v0 =	vadd.f32 @!p0 v2, v0;
	_ =	sdelay $0x1  }
0x205: {  	v0 =	vadd.f32 @!p0 v3, v0;
	_ =	sdelay $0x1  }
0x206: {  	(xrf2) =	vadd.scan.msk.f32 @!p0 $0xffff, v0;
	_ =	sdelay $0x9  }
0x207: {  	v0, _, _ =	vpop @!p0 (xrf2)  }
0x208: {  	(v2sf) =	vpush @!p0 v0, $0xF;
	_ =	sdelay $0xe  }
0x209: {  	s2 =	spop @!p0 (v2sf)  }
0x20a: {  	s2 =	smul.f32 @!p0 $1.209745730e-05, s2;
	_ =	sdelay $0x1  }
0x20b: {  	v0 =	vmov @!p0 s2  }
0x20c: {  	s4 =	simm.s32 @!p0 $0x1E680;
	s5 =	rddreg [dreg:$0x15];
	s2 =	simm.s32 @!p0 $0x0;
	[tilespmem:$0x1E680] =	vst @!p0 v0  }
0x20d: {  	[hbm4b:s5+s2] =	stream.linear.scatter @!p0 [tilespmem:s4], [sflag:$0x5], $0x8, $0x38;
	[tilespmem:$0x1FD10] =	vst v63  }
0x20e: {  	_ =	swait.ge @!p0 [sflag:s1], $0x8  }
0x20f: {  	s24 =	sadd.s32 $0x1, s24;
	s30 =	rddreg [dreg:$0x16]  }
0x210: {  	p1 =	sne.s32 s24, s30  }
.Ltmp7:
0x211: {  	_ = 	snop;
	(pc) =	sbr.rel @p1 .LBB2_1-.Ltmp7, $3  }
0x212: {  	_ =	sdelay $0x1  }
0x213: {  	[sflag:s1] =	ssyncset.done @!p0 $0x0  }
0x214: {  	[sflag:s1] =	ssyncadd.s32 @!p0 $0xFFFFFFF8  }
0x215: {  	_ =	sfence.sel $0x180000  }
0x216: {  	[bflag:$0x0] =	sbarrier.arrive $0xFFFF  }
0x217: {  	_ =	strace $0x90000047  }
0x218: {  	[bflag:$0x2] =	sbarrier.arrive $0xFFFF  }
0x219: {  	s0 =	rddreg [dreg:$0x3]  }
0x21a: {  	s0 =	sadd.s32 @!p0 $0x100000, s0  }
0x21b: {  	[sflag:s0] =	ssyncadd.tile.s32 @!p0 $0x1;
	_ =	shalt  }
.Lfunc_end2:
_tile_overlayer_lowered:
.L_overlay_start_2:
0x21c: {  	(tag) =	ssettag $0x2  }
0x21d: {  	s0 =	rddreg [dreg:$0x0];
	s2 =	stileid.u32  }
0x21e: {  	s1 =	rddreg [dreg:$0x1];
	p0 =	sne.s32 s2, $0x0  }
0x21f: {  	s3 =	rddreg [dreg:$0x2];
	[bflag:$0x3] =	sbarrier.arrive $0xFFFF;
	s2 =	simm.s32 @!p0 $0x1C05  }
0x220: {  	[timem:s3], [sflag:s2] =	dma.local @!p0 [hbm:s0], s1  }
0x221: {  	s0 =	simm.s32 @!p0 $0x5  }
0x222: {  	_ =	swait.ge @!p0 [sflag:s0], s1  }
0x223: {  	s1 =	ssub.s32 @!p0 $0x0, s1;
	[sflag:s0] =	ssyncset.done @!p0 $0x0  }
0x224: {  	[sflag:s0] =	ssyncadd.s32 @!p0 s1  }
0x225: {  	[bflag:$0x3] =	sbarrier.arrive $0xFFFF  }
0x226: {  	_ =	shalt  }

</sc_bundles>
